<compile_context>
chip_gen: v7x
topology: tpu7x:2x2x1
jax: 0.10.2.dev20260603
libtpu: 0.0.44.dev20260713+nightly
codegen_flags: <defaults>
</compile_context>

<pallas_src>
import functools

import jax
import jax.numpy as jnp
from jax import lax
from jax.experimental import pallas as pl
from jax.experimental.pallas import tpu as pltpu
from jax.experimental.pallas import tpu_sc as plsc

WIDTH_FULL = 17
WIDTH_PLAYABLE = 15
HEIGHT = 11
TYPE_EMB_DIM = 8
OUT_DIM = 14

K = 16384
NUM_CORES = 2
NUM_SUBCORES = 16
LANES = 16
NUM_WORKERS = NUM_CORES * NUM_SUBCORES
CHUNK = K // NUM_WORKERS
GROUPS = CHUNK // LANES
UNROLL = 4


def _hex_features(h):
    valid = jnp.where(h >= 0, jnp.float32(1.0), jnp.float32(0.0))
    q = (h.astype(jnp.float32) * jnp.float32(1.0 / WIDTH_FULL)).astype(jnp.int32)
    r = h - q * WIDTH_FULL
    x = jnp.clip(r, 0, WIDTH_PLAYABLE - 1).astype(jnp.float32) * (
        jnp.float32(1.0 / (WIDTH_PLAYABLE - 1))
    )
    y = jnp.clip(q, 0, HEIGHT - 1).astype(jnp.float32) * (
        jnp.float32(1.0 / (HEIGHT - 1))
    )
    return x * valid, y * valid, valid


def _sc_body(type_hbm, hex1_hbm, hex2_hbm, table_hbm, out_hbm,
             type_v, hex1_v, hex2_v, table_v, out_v, sem):
    wid = lax.axis_index("s") * NUM_CORES + lax.axis_index("c")
    base = wid * CHUNK

    cp0 = pltpu.async_copy(table_hbm, table_v, sem)
    cp1 = pltpu.async_copy(type_hbm.at[pl.ds(base, CHUNK)], type_v, sem)
    cp2 = pltpu.async_copy(hex1_hbm.at[pl.ds(base, CHUNK)], hex1_v, sem)
    cp3 = pltpu.async_copy(hex2_hbm.at[pl.ds(base, CHUNK)], hex2_v, sem)
    cp0.wait()
    cp1.wait()
    cp2.wait()
    cp3.wait()

    lane_ids = lax.iota(jnp.int32, LANES)
    row_sel = lane_ids % 4
    col_sel = lane_ids // 4
    tab_lo = plsc.load_gather(table_v, [row_sel, col_sel])
    tab_hi = plsc.load_gather(table_v, [row_sel, col_sel + 4])

    def group(i):
        sl = pl.ds(i * LANES, LANES)
        rows = i * LANES + lane_ids
        t = type_v[sl]
        for j in range(TYPE_EMB_DIM):
            src = tab_lo if j < 4 else tab_hi
            vals = jnp.take_along_axis(
                src, t + 4 * (j % 4), axis=0, mode="promise_in_bounds"
            )
            plsc.store_scatter(out_v, [rows, jnp.full((LANES,), j, jnp.int32)], vals)
        for h, c0 in ((hex1_v[sl], TYPE_EMB_DIM), (hex2_v[sl], TYPE_EMB_DIM + 3)):
            x, y, valid = _hex_features(h)
            plsc.store_scatter(out_v, [rows, jnp.full((LANES,), c0, jnp.int32)], x)
            plsc.store_scatter(out_v, [rows, jnp.full((LANES,), c0 + 1, jnp.int32)], y)
            plsc.store_scatter(out_v, [rows, jnp.full((LANES,), c0 + 2, jnp.int32)], valid)

    def blk(b, carry):
        for u in range(UNROLL):
            group(b * UNROLL + u)
        return carry

    lax.fori_loop(0, GROUPS // UNROLL, blk, 0)

    pltpu.sync_copy(out_v, out_hbm.at[pl.ds(base, CHUNK)])


@functools.partial(jax.jit, static_argnums=())
def _run(type_idx, hex1, hex2, type_emb):
    mesh = plsc.VectorSubcoreMesh(
        core_axis_name="c", subcore_axis_name="s",
        num_cores=NUM_CORES, num_subcores=NUM_SUBCORES,
    )
    f = pl.kernel(
        _sc_body,
        out_type=jax.ShapeDtypeStruct((K, OUT_DIM), jnp.float32),
        mesh=mesh,
        compiler_params=pltpu.CompilerParams(
            needs_layout_passes=False, use_tc_tiling_on_sc=True
        ),
        scratch_types=[
            pltpu.VMEM((CHUNK,), jnp.int32),
            pltpu.VMEM((CHUNK,), jnp.int32),
            pltpu.VMEM((CHUNK,), jnp.int32),
            pltpu.VMEM((4, TYPE_EMB_DIM), jnp.float32),
            pltpu.VMEM((CHUNK, OUT_DIM), jnp.float32),
            pltpu.SemaphoreType.DMA,
        ],
    )
    return f(type_idx, hex1, hex2, type_emb)


def kernel(type_idx, hex1, hex2, type_emb):
    return _run(
        type_idx.astype(jnp.int32),
        hex1.astype(jnp.int32),
        hex2.astype(jnp.int32),
        type_emb.astype(jnp.float32),
    )

# --- scband reference (transcript-rebuilt; emitter-appended) ---
"""Pipeline reference for scband-action-encoder-70068096467616 (READ-ONLY COPY).

The authoritative reference and input builder live on the scoring server;
editing this copy changes nothing except your own understanding.
"""

import jax, jax.numpy as jnp
import numpy as np

WIDTH_FULL = 17
WIDTH_PLAYABLE = 15
HEIGHT = 11
NUM_TYPES = 4
TYPE_EMB_DIM = 8


def _encode_hex(h):
    # vectorized version of encode_hex_field: invalid (h < 0) -> zeros
    valid = (h >= 0).astype(jnp.float32)
    x = jnp.clip(h % WIDTH_FULL, 0, WIDTH_PLAYABLE - 1).astype(jnp.float32) / (WIDTH_PLAYABLE - 1)
    y = jnp.clip(h // WIDTH_FULL, 0, HEIGHT - 1).astype(jnp.float32) / (HEIGHT - 1)
    return jnp.stack([x * valid, y * valid, valid], axis=1)


def setup_inputs(seed: int = 0) -> dict:
    key = jax.random.key(seed)
    k1, k2, k3, k4 = jax.random.split(key, 4)
    K = 16384
    type_idx = jax.random.randint(k1, (K,), 0, NUM_TYPES)
    hex1 = jax.random.randint(k2, (K,), 0, WIDTH_FULL * HEIGHT)
    hex2 = jax.random.randint(k3, (K,), 0, WIDTH_FULL * HEIGHT)
    type_emb = jax.random.normal(k4, (NUM_TYPES, TYPE_EMB_DIM), dtype=jnp.float32)
    return {"type_idx": type_idx, "hex1": hex1, "hex2": hex2, "type_emb": type_emb}


def reference(type_idx, hex1, hex2, type_emb):
    # embedding lookup: one table row per action type
    emb = jnp.take(type_emb, type_idx, axis=0)          # (K, 8)
    f1 = _encode_hex(hex1)                               # (K, 3)
    f2 = _encode_hex(hex2)                               # (K, 3)
    return jnp.concatenate([emb, f1, f2], axis=1)        # (K, 14)

if __name__ == "__main__":
    import jax
    _d = setup_inputs()
    print(jax.jit(kernel)(*tuple(_d.values())))

</pallas_src>

<mosaic_0001>
#map = affine_map<(d0, d1) -> (0)>
#map1 = affine_map<(d0, d1) -> (0, 0)>
module attributes {stable_mosaic.version = 14 : i64} {
  func.func @_sc_body(%arg0: i32, %arg1: i32, %arg2: memref<16384xi32, #tpu.memory_space<hbm>>, %arg3: memref<16384xi32, #tpu.memory_space<hbm>>, %arg4: memref<16384xi32, #tpu.memory_space<hbm>>, %arg5: memref<4x8xf32, #tpu.memory_space<hbm>>, %arg6: memref<16384x14xf32, #tpu.memory_space<hbm>>, %arg7: memref<512xi32, #tpu.memory_space<vmem>>, %arg8: memref<512xi32, #tpu.memory_space<vmem>>, %arg9: memref<512xi32, #tpu.memory_space<vmem>>, %arg10: memref<4x8xf32, #tpu.memory_space<vmem>>, %arg11: memref<512x14xf32, #tpu.memory_space<vmem>>, %arg12: memref<!tpu.dma_semaphore, #tpu.memory_space<semaphore_mem>>) attributes {dimension_semantics = [#tpu.dimension_semantics<core_parallel>, #tpu.dimension_semantics<subcore_parallel>], iteration_bounds = array<i64: 2, 16>, scalar_prefetch = 0 : i64, scratch_operands = 6 : i64, tpu.core_type = #tpu.core_type<sc_vector_subcore>, window_params = [{transform_indices = #map}, {transform_indices = #map}, {transform_indices = #map}, {transform_indices = #map1}, {transform_indices = #map1}]} {
    %mul3A = arith.constant 2 : i32
    %mul3A_0 = arith.muli %arg1, %mul3A : i32
    %add3A = arith.addi %mul3A_0, %arg0 : i32
    %mul3A_1 = arith.constant 512 : i32
    %mul3A_2 = arith.muli %add3A, %mul3A_1 : i32
    tpu.enqueue_dma source(%arg5 : memref<4x8xf32, #tpu.memory_space<hbm>>) target(%arg10 : memref<4x8xf32, #tpu.memory_space<vmem>>) target_semaphore(%arg12 : memref<!tpu.dma_semaphore, #tpu.memory_space<semaphore_mem>>)
    %dma_start3A = tpu.memref_slice %arg2[%mul3A_2] : memref<16384xi32, #tpu.memory_space<hbm>> -> memref<512xi32, #tpu.memory_space<hbm>>
    %dma_start3A_3 = tpu.memref_slice %arg2[%mul3A_2] : memref<16384xi32, #tpu.memory_space<hbm>> -> memref<512xi32, #tpu.memory_space<hbm>>
    tpu.enqueue_dma source(%dma_start3A_3 : memref<512xi32, #tpu.memory_space<hbm>>) target(%arg7 : memref<512xi32, #tpu.memory_space<vmem>>) target_semaphore(%arg12 : memref<!tpu.dma_semaphore, #tpu.memory_space<semaphore_mem>>)
    %dma_start3A_4 = tpu.memref_slice %arg3[%mul3A_2] : memref<16384xi32, #tpu.memory_space<hbm>> -> memref<512xi32, #tpu.memory_space<hbm>>
    %dma_start3A_5 = tpu.memref_slice %arg3[%mul3A_2] : memref<16384xi32, #tpu.memory_space<hbm>> -> memref<512xi32, #tpu.memory_space<hbm>>
    tpu.enqueue_dma source(%dma_start3A_5 : memref<512xi32, #tpu.memory_space<hbm>>) target(%arg8 : memref<512xi32, #tpu.memory_space<vmem>>) target_semaphore(%arg12 : memref<!tpu.dma_semaphore, #tpu.memory_space<semaphore_mem>>)
    %dma_start3A_6 = tpu.memref_slice %arg4[%mul3A_2] : memref<16384xi32, #tpu.memory_space<hbm>> -> memref<512xi32, #tpu.memory_space<hbm>>
    %dma_start3A_7 = tpu.memref_slice %arg4[%mul3A_2] : memref<16384xi32, #tpu.memory_space<hbm>> -> memref<512xi32, #tpu.memory_space<hbm>>
    tpu.enqueue_dma source(%dma_start3A_7 : memref<512xi32, #tpu.memory_space<hbm>>) target(%arg9 : memref<512xi32, #tpu.memory_space<vmem>>) target_semaphore(%arg12 : memref<!tpu.dma_semaphore, #tpu.memory_space<semaphore_mem>>)
    tpu.wait_dma2 semaphore(%arg12 : memref<!tpu.dma_semaphore, #tpu.memory_space<semaphore_mem>>) src(%arg5 : memref<4x8xf32, #tpu.memory_space<hbm>>) dst(%arg10 : memref<4x8xf32, #tpu.memory_space<vmem>>)
    %dma_wait3A = tpu.memref_slice %arg2[%mul3A_2] : memref<16384xi32, #tpu.memory_space<hbm>> -> memref<512xi32, #tpu.memory_space<hbm>>
    %dma_wait3A_8 = tpu.memref_slice %arg2[%mul3A_2] : memref<16384xi32, #tpu.memory_space<hbm>> -> memref<512xi32, #tpu.memory_space<hbm>>
    tpu.wait_dma2 semaphore(%arg12 : memref<!tpu.dma_semaphore, #tpu.memory_space<semaphore_mem>>) src(%dma_wait3A_8 : memref<512xi32, #tpu.memory_space<hbm>>) dst(%arg7 : memref<512xi32, #tpu.memory_space<vmem>>)
    %dma_wait3A_9 = tpu.memref_slice %arg3[%mul3A_2] : memref<16384xi32, #tpu.memory_space<hbm>> -> memref<512xi32, #tpu.memory_space<hbm>>
    %dma_wait3A_10 = tpu.memref_slice %arg3[%mul3A_2] : memref<16384xi32, #tpu.memory_space<hbm>> -> memref<512xi32, #tpu.memory_space<hbm>>
    tpu.wait_dma2 semaphore(%arg12 : memref<!tpu.dma_semaphore, #tpu.memory_space<semaphore_mem>>) src(%dma_wait3A_10 : memref<512xi32, #tpu.memory_space<hbm>>) dst(%arg8 : memref<512xi32, #tpu.memory_space<vmem>>)
    %dma_wait3A_11 = tpu.memref_slice %arg4[%mul3A_2] : memref<16384xi32, #tpu.memory_space<hbm>> -> memref<512xi32, #tpu.memory_space<hbm>>
    %dma_wait3A_12 = tpu.memref_slice %arg4[%mul3A_2] : memref<16384xi32, #tpu.memory_space<hbm>> -> memref<512xi32, #tpu.memory_space<hbm>>
    tpu.wait_dma2 semaphore(%arg12 : memref<!tpu.dma_semaphore, #tpu.memory_space<semaphore_mem>>) src(%dma_wait3A_12 : memref<512xi32, #tpu.memory_space<hbm>>) dst(%arg9 : memref<512xi32, #tpu.memory_space<vmem>>)
    %iota3A = tpu.iota {dimensions = array<i32: 0>} : vector<16xi32>
    %jit3A = arith.constant 4 : i32
    %eq3A = arith.constant 0 : i32
    %eq3A_13 = arith.cmpi eq, %jit3A, %eq3A : i32
    %jit3A_14 = arith.constant 1 : i32
    %select_n3A = arith.select %eq3A_13, %jit3A_14, %jit3A : i32
    %rem3A = vector.broadcast %select_n3A : i32 to vector<16xi32>
    %rem3A_15 = arith.remsi %iota3A, %rem3A : vector<16xi32>
    %ne3A = arith.constant 0 : i32
    %ne3A_16 = vector.broadcast %ne3A : i32 to vector<16xi32>
    %ne3A_17 = arith.cmpi ne, %rem3A_15, %ne3A_16 : vector<16xi32>
    %lt3A = arith.constant 0 : i32
    %lt3A_18 = vector.broadcast %lt3A : i32 to vector<16xi32>
    %lt3A_19 = arith.cmpi slt, %rem3A_15, %lt3A_18 : vector<16xi32>
    %lt3A_20 = arith.constant 0 : i32
    %lt3A_21 = arith.cmpi slt, %select_n3A, %lt3A_20 : i32
    %ne3A_22 = vector.broadcast %lt3A_21 : i1 to vector<16xi1>
    %ne3A_23 = vector.broadcast %ne3A_22 : vector<16xi1> to vector<16xi1>
    %ne3A_24 = arith.xori %lt3A_19, %ne3A_23 : vector<16xi1>
    %and3A = arith.andi %ne3A_24, %ne3A_17 : vector<16xi1>
    %add3A_25 = vector.broadcast %select_n3A : i32 to vector<16xi32>
    %add3A_26 = arith.addi %rem3A_15, %add3A_25 : vector<16xi32>
    %select_n3A_27 = arith.select %and3A, %add3A_26, %rem3A_15 : vector<16xi1>, vector<16xi32>
    %jit3A_28 = arith.constant 4 : i32
    %div3A = vector.broadcast %jit3A_28 : i32 to vector<16xi32>
    %div3A_29 = arith.divsi %iota3A, %div3A : vector<16xi32>
    %sign3A = arith.constant 0 : i32
    %sign3A_30 = vector.broadcast %sign3A : i32 to vector<16xi32>
    %sign3A_31 = arith.cmpi sgt, %iota3A, %sign3A_30 : vector<16xi32>
    %sign3A_32 = arith.extui %sign3A_31 : vector<16xi1> to vector<16xi32>
    %sign3A_33 = arith.constant 0 : i32
    %sign3A_34 = vector.broadcast %sign3A_33 : i32 to vector<16xi32>
    %sign3A_35 = arith.cmpi slt, %iota3A, %sign3A_34 : vector<16xi32>
    %sign3A_36 = arith.extui %sign3A_35 : vector<16xi1> to vector<16xi32>
    %sign3A_37 = arith.subi %sign3A_32, %sign3A_36 : vector<16xi32>
    %sign3A_38 = arith.constant 0 : i32
    %sign3A_39 = arith.cmpi sgt, %jit3A_28, %sign3A_38 : i32
    %sign3A_40 = arith.extui %sign3A_39 : i1 to i32
    %sign3A_41 = arith.constant 0 : i32
    %sign3A_42 = arith.cmpi slt, %jit3A_28, %sign3A_41 : i32
    %sign3A_43 = arith.extui %sign3A_42 : i1 to i32
    %sign3A_44 = arith.subi %sign3A_40, %sign3A_43 : i32
    %ne3A_45 = vector.broadcast %sign3A_44 : i32 to vector<16xi32>
    %ne3A_46 = arith.cmpi ne, %sign3A_37, %ne3A_45 : vector<16xi32>
    %rem3A_47 = vector.broadcast %jit3A_28 : i32 to vector<16xi32>
    %rem3A_48 = arith.remsi %iota3A, %rem3A_47 : vector<16xi32>
    %ne3A_49 = arith.constant 0 : i32
    %ne3A_50 = vector.broadcast %ne3A_49 : i32 to vector<16xi32>
    %ne3A_51 = arith.cmpi ne, %rem3A_48, %ne3A_50 : vector<16xi32>
    %and3A_52 = arith.andi %ne3A_46, %ne3A_51 : vector<16xi1>
    %sub3A = arith.constant 1 : i32
    %sub3A_53 = vector.broadcast %sub3A : i32 to vector<16xi32>
    %sub3A_54 = arith.subi %div3A_29, %sub3A_53 : vector<16xi32>
    %select_n3A_55 = arith.select %and3A_52, %sub3A_54, %div3A_29 : vector<16xi1>, vector<16xi32>
    %gather3A = tpu.vector_load_idx %arg10[%select_n3A_27, %select_n3A_55] : memref<4x8xf32, #tpu.memory_space<vmem>>[vector<16xi32>, vector<16xi32>], vector<16xf32>,
    %add3A_56 = arith.constant 4 : i32
    %add3A_57 = vector.broadcast %add3A_56 : i32 to vector<16xi32>
    %add3A_58 = arith.addi %select_n3A_55, %add3A_57 : vector<16xi32>
    %gather3A_59 = tpu.vector_load_idx %arg10[%select_n3A_27, %add3A_58] : memref<4x8xf32, #tpu.memory_space<vmem>>[vector<16xi32>, vector<16xi32>], vector<16xf32>,
    %scan3A = arith.constant 0 : i32
    %scan3A_60 = arith.constant 0 : i32
    %scan3A_61 = arith.constant 8 : i32
    %scan3A_62 = arith.addi %scan3A_60, %scan3A_61 : i32
    %scan3A_63 = arith.constant 1 : i32
    scf.for %scan3A_65 = %scan3A_60 to %scan3A_62 step %scan3A_63  : i32 {
      %mul3A_66 = arith.constant 4 : i32
      %mul3A_67 = arith.muli %scan3A_65, %mul3A_66 : i32
      %add3A_68 = arith.constant 0 : i32
      %add3A_69 = arith.addi %mul3A_67, %add3A_68 : i32
      %mul3A_70 = arith.constant 16 : i32
      %mul3A_71 = arith.muli %add3A_69, %mul3A_70 : i32
      %mul3A_72 = arith.constant 16 : i32
      %mul3A_73 = arith.muli %add3A_69, %mul3A_72 : i32
      %add3A_74 = vector.broadcast %mul3A_73 : i32 to vector<16xi32>
      %add3A_75 = arith.addi %add3A_74, %iota3A : vector<16xi32>
      %get3A = arith.index_cast %mul3A_71 : i32 to index
      %get3A_76 = tpu.vector_load %arg7[%get3A] {strides = array<i32>} : memref<512xi32, #tpu.memory_space<vmem>>, vector<16xi32>,
      %add3A_77 = arith.constant 0 : i32
      %add3A_78 = vector.broadcast %add3A_77 : i32 to vector<16xi32>
      %add3A_79 = arith.addi %get3A_76, %add3A_78 : vector<16xi32>
      %reshape3A = vector.shape_cast %add3A_79 : vector<16xi32> to vector<16x1xi32>
      %gather3A_80 = vector.shape_cast %reshape3A : vector<16x1xi32> to vector<16xi32>
      %gather3A_81 = tpu.dynamic_gather %gather3A[%gather3A_80] in [0] : vector<16xf32>, vector<16xi32> -> vector<16xf32>
      %broadcast_in_dim3A = arith.constant 0 : i32
      %broadcast_in_dim3A_82 = vector.broadcast %broadcast_in_dim3A : i32 to vector<16xi32>
      tpu.vector_store_idx %arg11[%add3A_75, %broadcast_in_dim3A_82], %gather3A_81 : memref<512x14xf32, #tpu.memory_space<vmem>>[vector<16xi32>, vector<16xi32>], vector<16xf32>,
      %add3A_83 = arith.constant 4 : i32
      %add3A_84 = vector.broadcast %add3A_83 : i32 to vector<16xi32>
      %add3A_85 = arith.addi %get3A_76, %add3A_84 : vector<16xi32>
      %reshape3A_86 = vector.shape_cast %add3A_85 : vector<16xi32> to vector<16x1xi32>
      %gather3A_87 = vector.shape_cast %reshape3A_86 : vector<16x1xi32> to vector<16xi32>
      %gather3A_88 = tpu.dynamic_gather %gather3A[%gather3A_87] in [0] : vector<16xf32>, vector<16xi32> -> vector<16xf32>
      %broadcast_in_dim3A_89 = arith.constant 1 : i32
      %broadcast_in_dim3A_90 = vector.broadcast %broadcast_in_dim3A_89 : i32 to vector<16xi32>
      tpu.vector_store_idx %arg11[%add3A_75, %broadcast_in_dim3A_90], %gather3A_88 : memref<512x14xf32, #tpu.memory_space<vmem>>[vector<16xi32>, vector<16xi32>], vector<16xf32>,
      %add3A_91 = arith.constant 8 : i32
      %add3A_92 = vector.broadcast %add3A_91 : i32 to vector<16xi32>
      %add3A_93 = arith.addi %get3A_76, %add3A_92 : vector<16xi32>
      %reshape3A_94 = vector.shape_cast %add3A_93 : vector<16xi32> to vector<16x1xi32>
      %gather3A_95 = vector.shape_cast %reshape3A_94 : vector<16x1xi32> to vector<16xi32>
      %gather3A_96 = tpu.dynamic_gather %gather3A[%gather3A_95] in [0] : vector<16xf32>, vector<16xi32> -> vector<16xf32>
      %broadcast_in_dim3A_97 = arith.constant 2 : i32
      %broadcast_in_dim3A_98 = vector.broadcast %broadcast_in_dim3A_97 : i32 to vector<16xi32>
      tpu.vector_store_idx %arg11[%add3A_75, %broadcast_in_dim3A_98], %gather3A_96 : memref<512x14xf32, #tpu.memory_space<vmem>>[vector<16xi32>, vector<16xi32>], vector<16xf32>,
      %add3A_99 = arith.constant 12 : i32
      %add3A_100 = vector.broadcast %add3A_99 : i32 to vector<16xi32>
      %add3A_101 = arith.addi %get3A_76, %add3A_100 : vector<16xi32>
      %reshape3A_102 = vector.shape_cast %add3A_101 : vector<16xi32> to vector<16x1xi32>
      %gather3A_103 = vector.shape_cast %reshape3A_102 : vector<16x1xi32> to vector<16xi32>
      %gather3A_104 = tpu.dynamic_gather %gather3A[%gather3A_103] in [0] : vector<16xf32>, vector<16xi32> -> vector<16xf32>
      %broadcast_in_dim3A_105 = arith.constant 3 : i32
      %broadcast_in_dim3A_106 = vector.broadcast %broadcast_in_dim3A_105 : i32 to vector<16xi32>
      tpu.vector_store_idx %arg11[%add3A_75, %broadcast_in_dim3A_106], %gather3A_104 : memref<512x14xf32, #tpu.memory_space<vmem>>[vector<16xi32>, vector<16xi32>], vector<16xf32>,
      %add3A_107 = arith.constant 0 : i32
      %add3A_108 = vector.broadcast %add3A_107 : i32 to vector<16xi32>
      %add3A_109 = arith.addi %get3A_76, %add3A_108 : vector<16xi32>
      %reshape3A_110 = vector.shape_cast %add3A_109 : vector<16xi32> to vector<16x1xi32>
      %gather3A_111 = vector.shape_cast %reshape3A_110 : vector<16x1xi32> to vector<16xi32>
      %gather3A_112 = tpu.dynamic_gather %gather3A_59[%gather3A_111] in [0] : vector<16xf32>, vector<16xi32> -> vector<16xf32>
      %broadcast_in_dim3A_113 = arith.constant 4 : i32
      %broadcast_in_dim3A_114 = vector.broadcast %broadcast_in_dim3A_113 : i32 to vector<16xi32>
      tpu.vector_store_idx %arg11[%add3A_75, %broadcast_in_dim3A_114], %gather3A_112 : memref<512x14xf32, #tpu.memory_space<vmem>>[vector<16xi32>, vector<16xi32>], vector<16xf32>,
      %add3A_115 = arith.constant 4 : i32
      %add3A_116 = vector.broadcast %add3A_115 : i32 to vector<16xi32>
      %add3A_117 = arith.addi %get3A_76, %add3A_116 : vector<16xi32>
      %reshape3A_118 = vector.shape_cast %add3A_117 : vector<16xi32> to vector<16x1xi32>
      %gather3A_119 = vector.shape_cast %reshape3A_118 : vector<16x1xi32> to vector<16xi32>
      %gather3A_120 = tpu.dynamic_gather %gather3A_59[%gather3A_119] in [0] : vector<16xf32>, vector<16xi32> -> vector<16xf32>
      %broadcast_in_dim3A_121 = arith.constant 5 : i32
      %broadcast_in_dim3A_122 = vector.broadcast %broadcast_in_dim3A_121 : i32 to vector<16xi32>
      tpu.vector_store_idx %arg11[%add3A_75, %broadcast_in_dim3A_122], %gather3A_120 : memref<512x14xf32, #tpu.memory_space<vmem>>[vector<16xi32>, vector<16xi32>], vector<16xf32>,
      %add3A_123 = arith.constant 8 : i32
      %add3A_124 = vector.broadcast %add3A_123 : i32 to vector<16xi32>
      %add3A_125 = arith.addi %get3A_76, %add3A_124 : vector<16xi32>
      %reshape3A_126 = vector.shape_cast %add3A_125 : vector<16xi32> to vector<16x1xi32>
      %gather3A_127 = vector.shape_cast %reshape3A_126 : vector<16x1xi32> to vector<16xi32>
      %gather3A_128 = tpu.dynamic_gather %gather3A_59[%gather3A_127] in [0] : vector<16xf32>, vector<16xi32> -> vector<16xf32>
      %broadcast_in_dim3A_129 = arith.constant 6 : i32
      %broadcast_in_dim3A_130 = vector.broadcast %broadcast_in_dim3A_129 : i32 to vector<16xi32>
      tpu.vector_store_idx %arg11[%add3A_75, %broadcast_in_dim3A_130], %gather3A_128 : memref<512x14xf32, #tpu.memory_space<vmem>>[vector<16xi32>, vector<16xi32>], vector<16xf32>,
      %add3A_131 = arith.constant 12 : i32
      %add3A_132 = vector.broadcast %add3A_131 : i32 to vector<16xi32>
      %add3A_133 = arith.addi %get3A_76, %add3A_132 : vector<16xi32>
      %reshape3A_134 = vector.shape_cast %add3A_133 : vector<16xi32> to vector<16x1xi32>
      %gather3A_135 = vector.shape_cast %reshape3A_134 : vector<16x1xi32> to vector<16xi32>
      %gather3A_136 = tpu.dynamic_gather %gather3A_59[%gather3A_135] in [0] : vector<16xf32>, vector<16xi32> -> vector<16xf32>
      %broadcast_in_dim3A_137 = arith.constant 7 : i32
      %broadcast_in_dim3A_138 = vector.broadcast %broadcast_in_dim3A_137 : i32 to vector<16xi32>
      tpu.vector_store_idx %arg11[%add3A_75, %broadcast_in_dim3A_138], %gather3A_136 : memref<512x14xf32, #tpu.memory_space<vmem>>[vector<16xi32>, vector<16xi32>], vector<16xf32>,
      %get3A_139 = arith.index_cast %mul3A_71 : i32 to index
      %get3A_140 = tpu.vector_load %arg8[%get3A_139] {strides = array<i32>} : memref<512xi32, #tpu.memory_space<vmem>>, vector<16xi32>,
      %get3A_141 = arith.index_cast %mul3A_71 : i32 to index
      %get3A_142 = tpu.vector_load %arg9[%get3A_141] {strides = array<i32>} : memref<512xi32, #tpu.memory_space<vmem>>, vector<16xi32>,
      %ge3A = arith.constant 0 : i32
      %ge3A_143 = vector.broadcast %ge3A : i32 to vector<16xi32>
      %ge3A_144 = arith.cmpi sge, %get3A_140, %ge3A_143 : vector<16xi32>
      %jit3A_145 = arith.constant 1.000000e+00 : f32
      %jit3A_146 = arith.constant 0.000000e+00 : f32
      %broadcast_in_dim3A_147 = vector.broadcast %jit3A_145 : f32 to vector<16xf32>
      %broadcast_in_dim3A_148 = vector.broadcast %jit3A_146 : f32 to vector<16xf32>
      %select_n3A_149 = arith.select %ge3A_144, %broadcast_in_dim3A_147, %broadcast_in_dim3A_148 : vector<16xi1>, vector<16xf32>
      %convert_element_type3A = arith.sitofp %get3A_140 : vector<16xi32> to vector<16xf32>
      %mul3A_150 = arith.constant 0.0588235296 : f32
      %mul3A_151 = vector.broadcast %mul3A_150 : f32 to vector<16xf32>
      %mul3A_152 = arith.mulf %convert_element_type3A, %mul3A_151 : vector<16xf32>
      %convert_element_type3A_153 = arith.fptosi %mul3A_152 : vector<16xf32> to vector<16xi32>
      %mul3A_154 = arith.constant 17 : i32
      %mul3A_155 = vector.broadcast %mul3A_154 : i32 to vector<16xi32>
      %mul3A_156 = arith.muli %convert_element_type3A_153, %mul3A_155 : vector<16xi32>
      %sub3A_157 = arith.subi %get3A_140, %mul3A_156 : vector<16xi32>
      %jit3A_158 = arith.constant 0 : i32
      %jit3A_159 = arith.constant 14 : i32
      %max3A = vector.broadcast %jit3A_158 : i32 to vector<16xi32>
      %max3A_160 = arith.maxsi %max3A, %sub3A_157 : vector<16xi32>
      %min3A = vector.broadcast %jit3A_159 : i32 to vector<16xi32>
      %min3A_161 = arith.minsi %min3A, %max3A_160 : vector<16xi32>
      %convert_element_type3A_162 = arith.sitofp %min3A_161 : vector<16xi32> to vector<16xf32>
      %mul3A_163 = arith.constant 0.0714285746 : f32
      %mul3A_164 = vector.broadcast %mul3A_163 : f32 to vector<16xf32>
      %mul3A_165 = arith.mulf %convert_element_type3A_162, %mul3A_164 : vector<16xf32>
      %jit3A_166 = arith.constant 0 : i32
      %jit3A_167 = arith.constant 10 : i32
      %max3A_168 = vector.broadcast %jit3A_166 : i32 to vector<16xi32>
      %max3A_169 = arith.maxsi %max3A_168, %convert_element_type3A_153 : vector<16xi32>
      %min3A_170 = vector.broadcast %jit3A_167 : i32 to vector<16xi32>
      %min3A_171 = arith.minsi %min3A_170, %max3A_169 : vector<16xi32>
      %convert_element_type3A_172 = arith.sitofp %min3A_171 : vector<16xi32> to vector<16xf32>
      %mul3A_173 = arith.constant 1.000000e-01 : f32
      %mul3A_174 = vector.broadcast %mul3A_173 : f32 to vector<16xf32>
      %mul3A_175 = arith.mulf %convert_element_type3A_172, %mul3A_174 : vector<16xf32>
      %mul3A_176 = arith.mulf %mul3A_165, %select_n3A_149 : vector<16xf32>
      %mul3A_177 = arith.mulf %mul3A_175, %select_n3A_149 : vector<16xf32>
      %broadcast_in_dim3A_178 = arith.constant 8 : i32
      %broadcast_in_dim3A_179 = vector.broadcast %broadcast_in_dim3A_178 : i32 to vector<16xi32>
      tpu.vector_store_idx %arg11[%add3A_75, %broadcast_in_dim3A_179], %mul3A_176 : memref<512x14xf32, #tpu.memory_space<vmem>>[vector<16xi32>, vector<16xi32>], vector<16xf32>,
      %broadcast_in_dim3A_180 = arith.constant 9 : i32
      %broadcast_in_dim3A_181 = vector.broadcast %broadcast_in_dim3A_180 : i32 to vector<16xi32>
      tpu.vector_store_idx %arg11[%add3A_75, %broadcast_in_dim3A_181], %mul3A_177 : memref<512x14xf32, #tpu.memory_space<vmem>>[vector<16xi32>, vector<16xi32>], vector<16xf32>,
      %broadcast_in_dim3A_182 = arith.constant 10 : i32
      %broadcast_in_dim3A_183 = vector.broadcast %broadcast_in_dim3A_182 : i32 to vector<16xi32>
      tpu.vector_store_idx %arg11[%add3A_75, %broadcast_in_dim3A_183], %select_n3A_149 : memref<512x14xf32, #tpu.memory_space<vmem>>[vector<16xi32>, vector<16xi32>], vector<16xf32>,
      %ge3A_184 = arith.constant 0 : i32
      %ge3A_185 = vector.broadcast %ge3A_184 : i32 to vector<16xi32>
      %ge3A_186 = arith.cmpi sge, %get3A_142, %ge3A_185 : vector<16xi32>
      %jit3A_187 = arith.constant 1.000000e+00 : f32
      %jit3A_188 = arith.constant 0.000000e+00 : f32
      %broadcast_in_dim3A_189 = vector.broadcast %jit3A_187 : f32 to vector<16xf32>
      %broadcast_in_dim3A_190 = vector.broadcast %jit3A_188 : f32 to vector<16xf32>
      %select_n3A_191 = arith.select %ge3A_186, %broadcast_in_dim3A_189, %broadcast_in_dim3A_190 : vector<16xi1>, vector<16xf32>
      %convert_element_type3A_192 = arith.sitofp %get3A_142 : vector<16xi32> to vector<16xf32>
      %mul3A_193 = arith.constant 0.0588235296 : f32
      %mul3A_194 = vector.broadcast %mul3A_193 : f32 to vector<16xf32>
      %mul3A_195 = arith.mulf %convert_element_type3A_192, %mul3A_194 : vector<16xf32>
      %convert_element_type3A_196 = arith.fptosi %mul3A_195 : vector<16xf32> to vector<16xi32>
      %mul3A_197 = arith.constant 17 : i32
      %mul3A_198 = vector.broadcast %mul3A_197 : i32 to vector<16xi32>
      %mul3A_199 = arith.muli %convert_element_type3A_196, %mul3A_198 : vector<16xi32>
      %sub3A_200 = arith.subi %get3A_142, %mul3A_199 : vector<16xi32>
      %jit3A_201 = arith.constant 0 : i32
      %jit3A_202 = arith.constant 14 : i32
      %max3A_203 = vector.broadcast %jit3A_201 : i32 to vector<16xi32>
      %max3A_204 = arith.maxsi %max3A_203, %sub3A_200 : vector<16xi32>
      %min3A_205 = vector.broadcast %jit3A_202 : i32 to vector<16xi32>
      %min3A_206 = arith.minsi %min3A_205, %max3A_204 : vector<16xi32>
      %convert_element_type3A_207 = arith.sitofp %min3A_206 : vector<16xi32> to vector<16xf32>
      %mul3A_208 = arith.constant 0.0714285746 : f32
      %mul3A_209 = vector.broadcast %mul3A_208 : f32 to vector<16xf32>
      %mul3A_210 = arith.mulf %convert_element_type3A_207, %mul3A_209 : vector<16xf32>
      %jit3A_211 = arith.constant 0 : i32
      %jit3A_212 = arith.constant 10 : i32
      %max3A_213 = vector.broadcast %jit3A_211 : i32 to vector<16xi32>
      %max3A_214 = arith.maxsi %max3A_213, %convert_element_type3A_196 : vector<16xi32>
      %min3A_215 = vector.broadcast %jit3A_212 : i32 to vector<16xi32>
      %min3A_216 = arith.minsi %min3A_215, %max3A_214 : vector<16xi32>
      %convert_element_type3A_217 = arith.sitofp %min3A_216 : vector<16xi32> to vector<16xf32>
      %mul3A_218 = arith.constant 1.000000e-01 : f32
      %mul3A_219 = vector.broadcast %mul3A_218 : f32 to vector<16xf32>
      %mul3A_220 = arith.mulf %convert_element_type3A_217, %mul3A_219 : vector<16xf32>
      %mul3A_221 = arith.mulf %mul3A_210, %select_n3A_191 : vector<16xf32>
      %mul3A_222 = arith.mulf %mul3A_220, %select_n3A_191 : vector<16xf32>
      %broadcast_in_dim3A_223 = arith.constant 11 : i32
      %broadcast_in_dim3A_224 = vector.broadcast %broadcast_in_dim3A_223 : i32 to vector<16xi32>
      tpu.vector_store_idx %arg11[%add3A_75, %broadcast_in_dim3A_224], %mul3A_221 : memref<512x14xf32, #tpu.memory_space<vmem>>[vector<16xi32>, vector<16xi32>], vector<16xf32>,
      %broadcast_in_dim3A_225 = arith.constant 12 : i32
      %broadcast_in_dim3A_226 = vector.broadcast %broadcast_in_dim3A_225 : i32 to vector<16xi32>
      tpu.vector_store_idx %arg11[%add3A_75, %broadcast_in_dim3A_226], %mul3A_222 : memref<512x14xf32, #tpu.memory_space<vmem>>[vector<16xi32>, vector<16xi32>], vector<16xf32>,
      %broadcast_in_dim3A_227 = arith.constant 13 : i32
      %broadcast_in_dim3A_228 = vector.broadcast %broadcast_in_dim3A_227 : i32 to vector<16xi32>
      tpu.vector_store_idx %arg11[%add3A_75, %broadcast_in_dim3A_228], %select_n3A_191 : memref<512x14xf32, #tpu.memory_space<vmem>>[vector<16xi32>, vector<16xi32>], vector<16xf32>,
      %mul3A_229 = arith.constant 4 : i32
      %mul3A_230 = arith.muli %scan3A_65, %mul3A_229 : i32
      %add3A_231 = arith.constant 1 : i32
      %add3A_232 = arith.addi %mul3A_230, %add3A_231 : i32
      %mul3A_233 = arith.constant 16 : i32
      %mul3A_234 = arith.muli %add3A_232, %mul3A_233 : i32
      %mul3A_235 = arith.constant 16 : i32
      %mul3A_236 = arith.muli %add3A_232, %mul3A_235 : i32
      %add3A_237 = vector.broadcast %mul3A_236 : i32 to vector<16xi32>
      %add3A_238 = arith.addi %add3A_237, %iota3A : vector<16xi32>
      %get3A_239 = arith.index_cast %mul3A_234 : i32 to index
      %get3A_240 = tpu.vector_load %arg7[%get3A_239] {strides = array<i32>} : memref<512xi32, #tpu.memory_space<vmem>>, vector<16xi32>,
      %add3A_241 = arith.constant 0 : i32
      %add3A_242 = vector.broadcast %add3A_241 : i32 to vector<16xi32>
      %add3A_243 = arith.addi %get3A_240, %add3A_242 : vector<16xi32>
      %reshape3A_244 = vector.shape_cast %add3A_243 : vector<16xi32> to vector<16x1xi32>
      %gather3A_245 = vector.shape_cast %reshape3A_244 : vector<16x1xi32> to vector<16xi32>
      %gather3A_246 = tpu.dynamic_gather %gather3A[%gather3A_245] in [0] : vector<16xf32>, vector<16xi32> -> vector<16xf32>
      %broadcast_in_dim3A_247 = arith.constant 0 : i32
      %broadcast_in_dim3A_248 = vector.broadcast %broadcast_in_dim3A_247 : i32 to vector<16xi32>
      tpu.vector_store_idx %arg11[%add3A_238, %broadcast_in_dim3A_248], %gather3A_246 : memref<512x14xf32, #tpu.memory_space<vmem>>[vector<16xi32>, vector<16xi32>], vector<16xf32>,
      %add3A_249 = arith.constant 4 : i32
      %add3A_250 = vector.broadcast %add3A_249 : i32 to vector<16xi32>
      %add3A_251 = arith.addi %get3A_240, %add3A_250 : vector<16xi32>
      %reshape3A_252 = vector.shape_cast %add3A_251 : vector<16xi32> to vector<16x1xi32>
      %gather3A_253 = vector.shape_cast %reshape3A_252 : vector<16x1xi32> to vector<16xi32>
      %gather3A_254 = tpu.dynamic_gather %gather3A[%gather3A_253] in [0] : vector<16xf32>, vector<16xi32> -> vector<16xf32>
      %broadcast_in_dim3A_255 = arith.constant 1 : i32
      %broadcast_in_dim3A_256 = vector.broadcast %broadcast_in_dim3A_255 : i32 to vector<16xi32>
      tpu.vector_store_idx %arg11[%add3A_238, %broadcast_in_dim3A_256], %gather3A_254 : memref<512x14xf32, #tpu.memory_space<vmem>>[vector<16xi32>, vector<16xi32>], vector<16xf32>,
      %add3A_257 = arith.constant 8 : i32
      %add3A_258 = vector.broadcast %add3A_257 : i32 to vector<16xi32>
      %add3A_259 = arith.addi %get3A_240, %add3A_258 : vector<16xi32>
      %reshape3A_260 = vector.shape_cast %add3A_259 : vector<16xi32> to vector<16x1xi32>
      %gather3A_261 = vector.shape_cast %reshape3A_260 : vector<16x1xi32> to vector<16xi32>
      %gather3A_262 = tpu.dynamic_gather %gather3A[%gather3A_261] in [0] : vector<16xf32>, vector<16xi32> -> vector<16xf32>
      %broadcast_in_dim3A_263 = arith.constant 2 : i32
      %broadcast_in_dim3A_264 = vector.broadcast %broadcast_in_dim3A_263 : i32 to vector<16xi32>
      tpu.vector_store_idx %arg11[%add3A_238, %broadcast_in_dim3A_264], %gather3A_262 : memref<512x14xf32, #tpu.memory_space<vmem>>[vector<16xi32>, vector<16xi32>], vector<16xf32>,
      %add3A_265 = arith.constant 12 : i32
      %add3A_266 = vector.broadcast %add3A_265 : i32 to vector<16xi32>
      %add3A_267 = arith.addi %get3A_240, %add3A_266 : vector<16xi32>
      %reshape3A_268 = vector.shape_cast %add3A_267 : vector<16xi32> to vector<16x1xi32>
      %gather3A_269 = vector.shape_cast %reshape3A_268 : vector<16x1xi32> to vector<16xi32>
      %gather3A_270 = tpu.dynamic_gather %gather3A[%gather3A_269] in [0] : vector<16xf32>, vector<16xi32> -> vector<16xf32>
      %broadcast_in_dim3A_271 = arith.constant 3 : i32
      %broadcast_in_dim3A_272 = vector.broadcast %broadcast_in_dim3A_271 : i32 to vector<16xi32>
      tpu.vector_store_idx %arg11[%add3A_238, %broadcast_in_dim3A_272], %gather3A_270 : memref<512x14xf32, #tpu.memory_space<vmem>>[vector<16xi32>, vector<16xi32>], vector<16xf32>,
      %add3A_273 = arith.constant 0 : i32
      %add3A_274 = vector.broadcast %add3A_273 : i32 to vector<16xi32>
      %add3A_275 = arith.addi %get3A_240, %add3A_274 : vector<16xi32>
      %reshape3A_276 = vector.shape_cast %add3A_275 : vector<16xi32> to vector<16x1xi32>
      %gather3A_277 = vector.shape_cast %reshape3A_276 : vector<16x1xi32> to vector<16xi32>
      %gather3A_278 = tpu.dynamic_gather %gather3A_59[%gather3A_277] in [0] : vector<16xf32>, vector<16xi32> -> vector<16xf32>
      %broadcast_in_dim3A_279 = arith.constant 4 : i32
      %broadcast_in_dim3A_280 = vector.broadcast %broadcast_in_dim3A_279 : i32 to vector<16xi32>
      tpu.vector_store_idx %arg11[%add3A_238, %broadcast_in_dim3A_280], %gather3A_278 : memref<512x14xf32, #tpu.memory_space<vmem>>[vector<16xi32>, vector<16xi32>], vector<16xf32>,
      %add3A_281 = arith.constant 4 : i32
      %add3A_282 = vector.broadcast %add3A_281 : i32 to vector<16xi32>
      %add3A_283 = arith.addi %get3A_240, %add3A_282 : vector<16xi32>
      %reshape3A_284 = vector.shape_cast %add3A_283 : vector<16xi32> to vector<16x1xi32>
      %gather3A_285 = vector.shape_cast %reshape3A_284 : vector<16x1xi32> to vector<16xi32>
      %gather3A_286 = tpu.dynamic_gather %gather3A_59[%gather3A_285] in [0] : vector<16xf32>, vector<16xi32> -> vector<16xf32>
      %broadcast_in_dim3A_287 = arith.constant 5 : i32
      %broadcast_in_dim3A_288 = vector.broadcast %broadcast_in_dim3A_287 : i32 to vector<16xi32>
      tpu.vector_store_idx %arg11[%add3A_238, %broadcast_in_dim3A_288], %gather3A_286 : memref<512x14xf32, #tpu.memory_space<vmem>>[vector<16xi32>, vector<16xi32>], vector<16xf32>,
      %add3A_289 = arith.constant 8 : i32
      %add3A_290 = vector.broadcast %add3A_289 : i32 to vector<16xi32>
      %add3A_291 = arith.addi %get3A_240, %add3A_290 : vector<16xi32>
      %reshape3A_292 = vector.shape_cast %add3A_291 : vector<16xi32> to vector<16x1xi32>
      %gather3A_293 = vector.shape_cast %reshape3A_292 : vector<16x1xi32> to vector<16xi32>
      %gather3A_294 = tpu.dynamic_gather %gather3A_59[%gather3A_293] in [0] : vector<16xf32>, vector<16xi32> -> vector<16xf32>
      %broadcast_in_dim3A_295 = arith.constant 6 : i32
      %broadcast_in_dim3A_296 = vector.broadcast %broadcast_in_dim3A_295 : i32 to vector<16xi32>
      tpu.vector_store_idx %arg11[%add3A_238, %broadcast_in_dim3A_296], %gather3A_294 : memref<512x14xf32, #tpu.memory_space<vmem>>[vector<16xi32>, vector<16xi32>], vector<16xf32>,
      %add3A_297 = arith.constant 12 : i32
      %add3A_298 = vector.broadcast %add3A_297 : i32 to vector<16xi32>
      %add3A_299 = arith.addi %get3A_240, %add3A_298 : vector<16xi32>
      %reshape3A_300 = vector.shape_cast %add3A_299 : vector<16xi32> to vector<16x1xi32>
      %gather3A_301 = vector.shape_cast %reshape3A_300 : vector<16x1xi32> to vector<16xi32>
      %gather3A_302 = tpu.dynamic_gather %gather3A_59[%gather3A_301] in [0] : vector<16xf32>, vector<16xi32> -> vector<16xf32>
      %broadcast_in_dim3A_303 = arith.constant 7 : i32
      %broadcast_in_dim3A_304 = vector.broadcast %broadcast_in_dim3A_303 : i32 to vector<16xi32>
      tpu.vector_store_idx %arg11[%add3A_238, %broadcast_in_dim3A_304], %gather3A_302 : memref<512x14xf32, #tpu.memory_space<vmem>>[vector<16xi32>, vector<16xi32>], vector<16xf32>,
      %get3A_305 = arith.index_cast %mul3A_234 : i32 to index
      %get3A_306 = tpu.vector_load %arg8[%get3A_305] {strides = array<i32>} : memref<512xi32, #tpu.memory_space<vmem>>, vector<16xi32>,
      %get3A_307 = arith.index_cast %mul3A_234 : i32 to index
      %get3A_308 = tpu.vector_load %arg9[%get3A_307] {strides = array<i32>} : memref<512xi32, #tpu.memory_space<vmem>>, vector<16xi32>,
      %ge3A_309 = arith.constant 0 : i32
      %ge3A_310 = vector.broadcast %ge3A_309 : i32 to vector<16xi32>
      %ge3A_311 = arith.cmpi sge, %get3A_306, %ge3A_310 : vector<16xi32>
      %jit3A_312 = arith.constant 1.000000e+00 : f32
      %jit3A_313 = arith.constant 0.000000e+00 : f32
      %broadcast_in_dim3A_314 = vector.broadcast %jit3A_312 : f32 to vector<16xf32>
      %broadcast_in_dim3A_315 = vector.broadcast %jit3A_313 : f32 to vector<16xf32>
      %select_n3A_316 = arith.select %ge3A_311, %broadcast_in_dim3A_314, %broadcast_in_dim3A_315 : vector<16xi1>, vector<16xf32>
      %convert_element_type3A_317 = arith.sitofp %get3A_306 : vector<16xi32> to vector<16xf32>
      %mul3A_318 = arith.constant 0.0588235296 : f32
      %mul3A_319 = vector.broadcast %mul3A_318 : f32 to vector<16xf32>
      %mul3A_320 = arith.mulf %convert_element_type3A_317, %mul3A_319 : vector<16xf32>
      %convert_element_type3A_321 = arith.fptosi %mul3A_320 : vector<16xf32> to vector<16xi32>
      %mul3A_322 = arith.constant 17 : i32
      %mul3A_323 = vector.broadcast %mul3A_322 : i32 to vector<16xi32>
      %mul3A_324 = arith.muli %convert_element_type3A_321, %mul3A_323 : vector<16xi32>
      %sub3A_325 = arith.subi %get3A_306, %mul3A_324 : vector<16xi32>
      %jit3A_326 = arith.constant 0 : i32
      %jit3A_327 = arith.constant 14 : i32
      %max3A_328 = vector.broadcast %jit3A_326 : i32 to vector<16xi32>
      %max3A_329 = arith.maxsi %max3A_328, %sub3A_325 : vector<16xi32>
      %min3A_330 = vector.broadcast %jit3A_327 : i32 to vector<16xi32>
      %min3A_331 = arith.minsi %min3A_330, %max3A_329 : vector<16xi32>
      %convert_element_type3A_332 = arith.sitofp %min3A_331 : vector<16xi32> to vector<16xf32>
      %mul3A_333 = arith.constant 0.0714285746 : f32
      %mul3A_334 = vector.broadcast %mul3A_333 : f32 to vector<16xf32>
      %mul3A_335 = arith.mulf %convert_element_type3A_332, %mul3A_334 : vector<16xf32>
      %jit3A_336 = arith.constant 0 : i32
      %jit3A_337 = arith.constant 10 : i32
      %max3A_338 = vector.broadcast %jit3A_336 : i32 to vector<16xi32>
      %max3A_339 = arith.maxsi %max3A_338, %convert_element_type3A_321 : vector<16xi32>
      %min3A_340 = vector.broadcast %jit3A_337 : i32 to vector<16xi32>
      %min3A_341 = arith.minsi %min3A_340, %max3A_339 : vector<16xi32>
      %convert_element_type3A_342 = arith.sitofp %min3A_341 : vector<16xi32> to vector<16xf32>
      %mul3A_343 = arith.constant 1.000000e-01 : f32
      %mul3A_344 = vector.broadcast %mul3A_343 : f32 to vector<16xf32>
      %mul3A_345 = arith.mulf %convert_element_type3A_342, %mul3A_344 : vector<16xf32>
      %mul3A_346 = arith.mulf %mul3A_335, %select_n3A_316 : vector<16xf32>
      %mul3A_347 = arith.mulf %mul3A_345, %select_n3A_316 : vector<16xf32>
      %broadcast_in_dim3A_348 = arith.constant 8 : i32
      %broadcast_in_dim3A_349 = vector.broadcast %broadcast_in_dim3A_348 : i32 to vector<16xi32>
      tpu.vector_store_idx %arg11[%add3A_238, %broadcast_in_dim3A_349], %mul3A_346 : memref<512x14xf32, #tpu.memory_space<vmem>>[vector<16xi32>, vector<16xi32>], vector<16xf32>,
      %broadcast_in_dim3A_350 = arith.constant 9 : i32
      %broadcast_in_dim3A_351 = vector.broadcast %broadcast_in_dim3A_350 : i32 to vector<16xi32>
      tpu.vector_store_idx %arg11[%add3A_238, %broadcast_in_dim3A_351], %mul3A_347 : memref<512x14xf32, #tpu.memory_space<vmem>>[vector<16xi32>, vector<16xi32>], vector<16xf32>,
      %broadcast_in_dim3A_352 = arith.constant 10 : i32
      %broadcast_in_dim3A_353 = vector.broadcast %broadcast_in_dim3A_352 : i32 to vector<16xi32>
      tpu.vector_store_idx %arg11[%add3A_238, %broadcast_in_dim3A_353], %select_n3A_316 : memref<512x14xf32, #tpu.memory_space<vmem>>[vector<16xi32>, vector<16xi32>], vector<16xf32>,
      %ge3A_354 = arith.constant 0 : i32
      %ge3A_355 = vector.broadcast %ge3A_354 : i32 to vector<16xi32>
      %ge3A_356 = arith.cmpi sge, %get3A_308, %ge3A_355 : vector<16xi32>
      %jit3A_357 = arith.constant 1.000000e+00 : f32
      %jit3A_358 = arith.constant 0.000000e+00 : f32
      %broadcast_in_dim3A_359 = vector.broadcast %jit3A_357 : f32 to vector<16xf32>
      %broadcast_in_dim3A_360 = vector.broadcast %jit3A_358 : f32 to vector<16xf32>
      %select_n3A_361 = arith.select %ge3A_356, %broadcast_in_dim3A_359, %broadcast_in_dim3A_360 : vector<16xi1>, vector<16xf32>
      %convert_element_type3A_362 = arith.sitofp %get3A_308 : vector<16xi32> to vector<16xf32>
      %mul3A_363 = arith.constant 0.0588235296 : f32
      %mul3A_364 = vector.broadcast %mul3A_363 : f32 to vector<16xf32>
      %mul3A_365 = arith.mulf %convert_element_type3A_362, %mul3A_364 : vector<16xf32>
      %convert_element_type3A_366 = arith.fptosi %mul3A_365 : vector<16xf32> to vector<16xi32>
      %mul3A_367 = arith.constant 17 : i32
      %mul3A_368 = vector.broadcast %mul3A_367 : i32 to vector<16xi32>
      %mul3A_369 = arith.muli %convert_element_type3A_366, %mul3A_368 : vector<16xi32>
      %sub3A_370 = arith.subi %get3A_308, %mul3A_369 : vector<16xi32>
      %jit3A_371 = arith.constant 0 : i32
      %jit3A_372 = arith.constant 14 : i32
      %max3A_373 = vector.broadcast %jit3A_371 : i32 to vector<16xi32>
      %max3A_374 = arith.maxsi %max3A_373, %sub3A_370 : vector<16xi32>
      %min3A_375 = vector.broadcast %jit3A_372 : i32 to vector<16xi32>
      %min3A_376 = arith.minsi %min3A_375, %max3A_374 : vector<16xi32>
      %convert_element_type3A_377 = arith.sitofp %min3A_376 : vector<16xi32> to vector<16xf32>
      %mul3A_378 = arith.constant 0.0714285746 : f32
      %mul3A_379 = vector.broadcast %mul3A_378 : f32 to vector<16xf32>
      %mul3A_380 = arith.mulf %convert_element_type3A_377, %mul3A_379 : vector<16xf32>
      %jit3A_381 = arith.constant 0 : i32
      %jit3A_382 = arith.constant 10 : i32
      %max3A_383 = vector.broadcast %jit3A_381 : i32 to vector<16xi32>
      %max3A_384 = arith.maxsi %max3A_383, %convert_element_type3A_366 : vector<16xi32>
      %min3A_385 = vector.broadcast %jit3A_382 : i32 to vector<16xi32>
      %min3A_386 = arith.minsi %min3A_385, %max3A_384 : vector<16xi32>
      %convert_element_type3A_387 = arith.sitofp %min3A_386 : vector<16xi32> to vector<16xf32>
      %mul3A_388 = arith.constant 1.000000e-01 : f32
      %mul3A_389 = vector.broadcast %mul3A_388 : f32 to vector<16xf32>
      %mul3A_390 = arith.mulf %convert_element_type3A_387, %mul3A_389 : vector<16xf32>
      %mul3A_391 = arith.mulf %mul3A_380, %select_n3A_361 : vector<16xf32>
      %mul3A_392 = arith.mulf %mul3A_390, %select_n3A_361 : vector<16xf32>
      %broadcast_in_dim3A_393 = arith.constant 11 : i32
      %broadcast_in_dim3A_394 = vector.broadcast %broadcast_in_dim3A_393 : i32 to vector<16xi32>
      tpu.vector_store_idx %arg11[%add3A_238, %broadcast_in_dim3A_394], %mul3A_391 : memref<512x14xf32, #tpu.memory_space<vmem>>[vector<16xi32>, vector<16xi32>], vector<16xf32>,
      %broadcast_in_dim3A_395 = arith.constant 12 : i32
      %broadcast_in_dim3A_396 = vector.broadcast %broadcast_in_dim3A_395 : i32 to vector<16xi32>
      tpu.vector_store_idx %arg11[%add3A_238, %broadcast_in_dim3A_396], %mul3A_392 : memref<512x14xf32, #tpu.memory_space<vmem>>[vector<16xi32>, vector<16xi32>], vector<16xf32>,
      %broadcast_in_dim3A_397 = arith.constant 13 : i32
      %broadcast_in_dim3A_398 = vector.broadcast %broadcast_in_dim3A_397 : i32 to vector<16xi32>
      tpu.vector_store_idx %arg11[%add3A_238, %broadcast_in_dim3A_398], %select_n3A_361 : memref<512x14xf32, #tpu.memory_space<vmem>>[vector<16xi32>, vector<16xi32>], vector<16xf32>,
      %mul3A_399 = arith.constant 4 : i32
      %mul3A_400 = arith.muli %scan3A_65, %mul3A_399 : i32
      %add3A_401 = arith.constant 2 : i32
      %add3A_402 = arith.addi %mul3A_400, %add3A_401 : i32
      %mul3A_403 = arith.constant 16 : i32
      %mul3A_404 = arith.muli %add3A_402, %mul3A_403 : i32
      %mul3A_405 = arith.constant 16 : i32
      %mul3A_406 = arith.muli %add3A_402, %mul3A_405 : i32
      %add3A_407 = vector.broadcast %mul3A_406 : i32 to vector<16xi32>
      %add3A_408 = arith.addi %add3A_407, %iota3A : vector<16xi32>
      %get3A_409 = arith.index_cast %mul3A_404 : i32 to index
      %get3A_410 = tpu.vector_load %arg7[%get3A_409] {strides = array<i32>} : memref<512xi32, #tpu.memory_space<vmem>>, vector<16xi32>,
      %add3A_411 = arith.constant 0 : i32
      %add3A_412 = vector.broadcast %add3A_411 : i32 to vector<16xi32>
      %add3A_413 = arith.addi %get3A_410, %add3A_412 : vector<16xi32>
      %reshape3A_414 = vector.shape_cast %add3A_413 : vector<16xi32> to vector<16x1xi32>
      %gather3A_415 = vector.shape_cast %reshape3A_414 : vector<16x1xi32> to vector<16xi32>
      %gather3A_416 = tpu.dynamic_gather %gather3A[%gather3A_415] in [0] : vector<16xf32>, vector<16xi32> -> vector<16xf32>
      %broadcast_in_dim3A_417 = arith.constant 0 : i32
      %broadcast_in_dim3A_418 = vector.broadcast %broadcast_in_dim3A_417 : i32 to vector<16xi32>
      tpu.vector_store_idx %arg11[%add3A_408, %broadcast_in_dim3A_418], %gather3A_416 : memref<512x14xf32, #tpu.memory_space<vmem>>[vector<16xi32>, vector<16xi32>], vector<16xf32>,
      %add3A_419 = arith.constant 4 : i32
      %add3A_420 = vector.broadcast %add3A_419 : i32 to vector<16xi32>
      %add3A_421 = arith.addi %get3A_410, %add3A_420 : vector<16xi32>
      %reshape3A_422 = vector.shape_cast %add3A_421 : vector<16xi32> to vector<16x1xi32>
      %gather3A_423 = vector.shape_cast %reshape3A_422 : vector<16x1xi32> to vector<16xi32>
      %gather3A_424 = tpu.dynamic_gather %gather3A[%gather3A_423] in [0] : vector<16xf32>, vector<16xi32> -> vector<16xf32>
      %broadcast_in_dim3A_425 = arith.constant 1 : i32
      %broadcast_in_dim3A_426 = vector.broadcast %broadcast_in_dim3A_425 : i32 to vector<16xi32>
      tpu.vector_store_idx %arg11[%add3A_408, %broadcast_in_dim3A_426], %gather3A_424 : memref<512x14xf32, #tpu.memory_space<vmem>>[vector<16xi32>, vector<16xi32>], vector<16xf32>,
      %add3A_427 = arith.constant 8 : i32
      %add3A_428 = vector.broadcast %add3A_427 : i32 to vector<16xi32>
      %add3A_429 = arith.addi %get3A_410, %add3A_428 : vector<16xi32>
      %reshape3A_430 = vector.shape_cast %add3A_429 : vector<16xi32> to vector<16x1xi32>
      %gather3A_431 = vector.shape_cast %reshape3A_430 : vector<16x1xi32> to vector<16xi32>
      %gather3A_432 = tpu.dynamic_gather %gather3A[%gather3A_431] in [0] : vector<16xf32>, vector<16xi32> -> vector<16xf32>
      %broadcast_in_dim3A_433 = arith.constant 2 : i32
      %broadcast_in_dim3A_434 = vector.broadcast %broadcast_in_dim3A_433 : i32 to vector<16xi32>
      tpu.vector_store_idx %arg11[%add3A_408, %broadcast_in_dim3A_434], %gather3A_432 : memref<512x14xf32, #tpu.memory_space<vmem>>[vector<16xi32>, vector<16xi32>], vector<16xf32>,
      %add3A_435 = arith.constant 12 : i32
      %add3A_436 = vector.broadcast %add3A_435 : i32 to vector<16xi32>
      %add3A_437 = arith.addi %get3A_410, %add3A_436 : vector<16xi32>
      %reshape3A_438 = vector.shape_cast %add3A_437 : vector<16xi32> to vector<16x1xi32>
      %gather3A_439 = vector.shape_cast %reshape3A_438 : vector<16x1xi32> to vector<16xi32>
      %gather3A_440 = tpu.dynamic_gather %gather3A[%gather3A_439] in [0] : vector<16xf32>, vector<16xi32> -> vector<16xf32>
      %broadcast_in_dim3A_441 = arith.constant 3 : i32
      %broadcast_in_dim3A_442 = vector.broadcast %broadcast_in_dim3A_441 : i32 to vector<16xi32>
      tpu.vector_store_idx %arg11[%add3A_408, %broadcast_in_dim3A_442], %gather3A_440 : memref<512x14xf32, #tpu.memory_space<vmem>>[vector<16xi32>, vector<16xi32>], vector<16xf32>,
      %add3A_443 = arith.constant 0 : i32
      %add3A_444 = vector.broadcast %add3A_443 : i32 to vector<16xi32>
      %add3A_445 = arith.addi %get3A_410, %add3A_444 : vector<16xi32>
      %reshape3A_446 = vector.shape_cast %add3A_445 : vector<16xi32> to vector<16x1xi32>
      %gather3A_447 = vector.shape_cast %reshape3A_446 : vector<16x1xi32> to vector<16xi32>
      %gather3A_448 = tpu.dynamic_gather %gather3A_59[%gather3A_447] in [0] : vector<16xf32>, vector<16xi32> -> vector<16xf32>
      %broadcast_in_dim3A_449 = arith.constant 4 : i32
      %broadcast_in_dim3A_450 = vector.broadcast %broadcast_in_dim3A_449 : i32 to vector<16xi32>
      tpu.vector_store_idx %arg11[%add3A_408, %broadcast_in_dim3A_450], %gather3A_448 : memref<512x14xf32, #tpu.memory_space<vmem>>[vector<16xi32>, vector<16xi32>], vector<16xf32>,
      %add3A_451 = arith.constant 4 : i32
      %add3A_452 = vector.broadcast %add3A_451 : i32 to vector<16xi32>
      %add3A_453 = arith.addi %get3A_410, %add3A_452 : vector<16xi32>
      %reshape3A_454 = vector.shape_cast %add3A_453 : vector<16xi32> to vector<16x1xi32>
      %gather3A_455 = vector.shape_cast %reshape3A_454 : vector<16x1xi32> to vector<16xi32>
      %gather3A_456 = tpu.dynamic_gather %gather3A_59[%gather3A_455] in [0] : vector<16xf32>, vector<16xi32> -> vector<16xf32>
      %broadcast_in_dim3A_457 = arith.constant 5 : i32
      %broadcast_in_dim3A_458 = vector.broadcast %broadcast_in_dim3A_457 : i32 to vector<16xi32>
      tpu.vector_store_idx %arg11[%add3A_408, %broadcast_in_dim3A_458], %gather3A_456 : memref<512x14xf32, #tpu.memory_space<vmem>>[vector<16xi32>, vector<16xi32>], vector<16xf32>,
      %add3A_459 = arith.constant 8 : i32
      %add3A_460 = vector.broadcast %add3A_459 : i32 to vector<16xi32>
      %add3A_461 = arith.addi %get3A_410, %add3A_460 : vector<16xi32>
      %reshape3A_462 = vector.shape_cast %add3A_461 : vector<16xi32> to vector<16x1xi32>
      %gather3A_463 = vector.shape_cast %reshape3A_462 : vector<16x1xi32> to vector<16xi32>
      %gather3A_464 = tpu.dynamic_gather %gather3A_59[%gather3A_463] in [0] : vector<16xf32>, vector<16xi32> -> vector<16xf32>
      %broadcast_in_dim3A_465 = arith.constant 6 : i32
      %broadcast_in_dim3A_466 = vector.broadcast %broadcast_in_dim3A_465 : i32 to vector<16xi32>
      tpu.vector_store_idx %arg11[%add3A_408, %broadcast_in_dim3A_466], %gather3A_464 : memref<512x14xf32, #tpu.memory_space<vmem>>[vector<16xi32>, vector<16xi32>], vector<16xf32>,
      %add3A_467 = arith.constant 12 : i32
      %add3A_468 = vector.broadcast %add3A_467 : i32 to vector<16xi32>
      %add3A_469 = arith.addi %get3A_410, %add3A_468 : vector<16xi32>
      %reshape3A_470 = vector.shape_cast %add3A_469 : vector<16xi32> to vector<16x1xi32>
      %gather3A_471 = vector.shape_cast %reshape3A_470 : vector<16x1xi32> to vector<16xi32>
      %gather3A_472 = tpu.dynamic_gather %gather3A_59[%gather3A_471] in [0] : vector<16xf32>, vector<16xi32> -> vector<16xf32>
      %broadcast_in_dim3A_473 = arith.constant 7 : i32
      %broadcast_in_dim3A_474 = vector.broadcast %broadcast_in_dim3A_473 : i32 to vector<16xi32>
      tpu.vector_store_idx %arg11[%add3A_408, %broadcast_in_dim3A_474], %gather3A_472 : memref<512x14xf32, #tpu.memory_space<vmem>>[vector<16xi32>, vector<16xi32>], vector<16xf32>,
      %get3A_475 = arith.index_cast %mul3A_404 : i32 to index
      %get3A_476 = tpu.vector_load %arg8[%get3A_475] {strides = array<i32>} : memref<512xi32, #tpu.memory_space<vmem>>, vector<16xi32>,
      %get3A_477 = arith.index_cast %mul3A_404 : i32 to index
      %get3A_478 = tpu.vector_load %arg9[%get3A_477] {strides = array<i32>} : memref<512xi32, #tpu.memory_space<vmem>>, vector<16xi32>,
      %ge3A_479 = arith.constant 0 : i32
      %ge3A_480 = vector.broadcast %ge3A_479 : i32 to vector<16xi32>
      %ge3A_481 = arith.cmpi sge, %get3A_476, %ge3A_480 : vector<16xi32>
      %jit3A_482 = arith.constant 1.000000e+00 : f32
      %jit3A_483 = arith.constant 0.000000e+00 : f32
      %broadcast_in_dim3A_484 = vector.broadcast %jit3A_482 : f32 to vector<16xf32>
      %broadcast_in_dim3A_485 = vector.broadcast %jit3A_483 : f32 to vector<16xf32>
      %select_n3A_486 = arith.select %ge3A_481, %broadcast_in_dim3A_484, %broadcast_in_dim3A_485 : vector<16xi1>, vector<16xf32>
      %convert_element_type3A_487 = arith.sitofp %get3A_476 : vector<16xi32> to vector<16xf32>
      %mul3A_488 = arith.constant 0.0588235296 : f32
      %mul3A_489 = vector.broadcast %mul3A_488 : f32 to vector<16xf32>
      %mul3A_490 = arith.mulf %convert_element_type3A_487, %mul3A_489 : vector<16xf32>
      %convert_element_type3A_491 = arith.fptosi %mul3A_490 : vector<16xf32> to vector<16xi32>
      %mul3A_492 = arith.constant 17 : i32
      %mul3A_493 = vector.broadcast %mul3A_492 : i32 to vector<16xi32>
      %mul3A_494 = arith.muli %convert_element_type3A_491, %mul3A_493 : vector<16xi32>
      %sub3A_495 = arith.subi %get3A_476, %mul3A_494 : vector<16xi32>
      %jit3A_496 = arith.constant 0 : i32
      %jit3A_497 = arith.constant 14 : i32
      %max3A_498 = vector.broadcast %jit3A_496 : i32 to vector<16xi32>
      %max3A_499 = arith.maxsi %max3A_498, %sub3A_495 : vector<16xi32>
      %min3A_500 = vector.broadcast %jit3A_497 : i32 to vector<16xi32>
      %min3A_501 = arith.minsi %min3A_500, %max3A_499 : vector<16xi32>
      %convert_element_type3A_502 = arith.sitofp %min3A_501 : vector<16xi32> to vector<16xf32>
      %mul3A_503 = arith.constant 0.0714285746 : f32
      %mul3A_504 = vector.broadcast %mul3A_503 : f32 to vector<16xf32>
      %mul3A_505 = arith.mulf %convert_element_type3A_502, %mul3A_504 : vector<16xf32>
      %jit3A_506 = arith.constant 0 : i32
      %jit3A_507 = arith.constant 10 : i32
      %max3A_508 = vector.broadcast %jit3A_506 : i32 to vector<16xi32>
      %max3A_509 = arith.maxsi %max3A_508, %convert_element_type3A_491 : vector<16xi32>
      %min3A_510 = vector.broadcast %jit3A_507 : i32 to vector<16xi32>
      %min3A_511 = arith.minsi %min3A_510, %max3A_509 : vector<16xi32>
      %convert_element_type3A_512 = arith.sitofp %min3A_511 : vector<16xi32> to vector<16xf32>
      %mul3A_513 = arith.constant 1.000000e-01 : f32
      %mul3A_514 = vector.broadcast %mul3A_513 : f32 to vector<16xf32>
      %mul3A_515 = arith.mulf %convert_element_type3A_512, %mul3A_514 : vector<16xf32>
      %mul3A_516 = arith.mulf %mul3A_505, %select_n3A_486 : vector<16xf32>
      %mul3A_517 = arith.mulf %mul3A_515, %select_n3A_486 : vector<16xf32>
      %broadcast_in_dim3A_518 = arith.constant 8 : i32
      %broadcast_in_dim3A_519 = vector.broadcast %broadcast_in_dim3A_518 : i32 to vector<16xi32>
      tpu.vector_store_idx %arg11[%add3A_408, %broadcast_in_dim3A_519], %mul3A_516 : memref<512x14xf32, #tpu.memory_space<vmem>>[vector<16xi32>, vector<16xi32>], vector<16xf32>,
      %broadcast_in_dim3A_520 = arith.constant 9 : i32
      %broadcast_in_dim3A_521 = vector.broadcast %broadcast_in_dim3A_520 : i32 to vector<16xi32>
      tpu.vector_store_idx %arg11[%add3A_408, %broadcast_in_dim3A_521], %mul3A_517 : memref<512x14xf32, #tpu.memory_space<vmem>>[vector<16xi32>, vector<16xi32>], vector<16xf32>,
      %broadcast_in_dim3A_522 = arith.constant 10 : i32
      %broadcast_in_dim3A_523 = vector.broadcast %broadcast_in_dim3A_522 : i32 to vector<16xi32>
      tpu.vector_store_idx %arg11[%add3A_408, %broadcast_in_dim3A_523], %select_n3A_486 : memref<512x14xf32, #tpu.memory_space<vmem>>[vector<16xi32>, vector<16xi32>], vector<16xf32>,
      %ge3A_524 = arith.constant 0 : i32
      %ge3A_525 = vector.broadcast %ge3A_524 : i32 to vector<16xi32>
      %ge3A_526 = arith.cmpi sge, %get3A_478, %ge3A_525 : vector<16xi32>
      %jit3A_527 = arith.constant 1.000000e+00 : f32
      %jit3A_528 = arith.constant 0.000000e+00 : f32
      %broadcast_in_dim3A_529 = vector.broadcast %jit3A_527 : f32 to vector<16xf32>
      %broadcast_in_dim3A_530 = vector.broadcast %jit3A_528 : f32 to vector<16xf32>
      %select_n3A_531 = arith.select %ge3A_526, %broadcast_in_dim3A_529, %broadcast_in_dim3A_530 : vector<16xi1>, vector<16xf32>
      %convert_element_type3A_532 = arith.sitofp %get3A_478 : vector<16xi32> to vector<16xf32>
      %mul3A_533 = arith.constant 0.0588235296 : f32
      %mul3A_534 = vector.broadcast %mul3A_533 : f32 to vector<16xf32>
      %mul3A_535 = arith.mulf %convert_element_type3A_532, %mul3A_534 : vector<16xf32>
      %convert_element_type3A_536 = arith.fptosi %mul3A_535 : vector<16xf32> to vector<16xi32>
      %mul3A_537 = arith.constant 17 : i32
      %mul3A_538 = vector.broadcast %mul3A_537 : i32 to vector<16xi32>
      %mul3A_539 = arith.muli %convert_element_type3A_536, %mul3A_538 : vector<16xi32>
      %sub3A_540 = arith.subi %get3A_478, %mul3A_539 : vector<16xi32>
      %jit3A_541 = arith.constant 0 : i32
      %jit3A_542 = arith.constant 14 : i32
      %max3A_543 = vector.broadcast %jit3A_541 : i32 to vector<16xi32>
      %max3A_544 = arith.maxsi %max3A_543, %sub3A_540 : vector<16xi32>
      %min3A_545 = vector.broadcast %jit3A_542 : i32 to vector<16xi32>
      %min3A_546 = arith.minsi %min3A_545, %max3A_544 : vector<16xi32>
      %convert_element_type3A_547 = arith.sitofp %min3A_546 : vector<16xi32> to vector<16xf32>
      %mul3A_548 = arith.constant 0.0714285746 : f32
      %mul3A_549 = vector.broadcast %mul3A_548 : f32 to vector<16xf32>
      %mul3A_550 = arith.mulf %convert_element_type3A_547, %mul3A_549 : vector<16xf32>
      %jit3A_551 = arith.constant 0 : i32
      %jit3A_552 = arith.constant 10 : i32
      %max3A_553 = vector.broadcast %jit3A_551 : i32 to vector<16xi32>
      %max3A_554 = arith.maxsi %max3A_553, %convert_element_type3A_536 : vector<16xi32>
      %min3A_555 = vector.broadcast %jit3A_552 : i32 to vector<16xi32>
      %min3A_556 = arith.minsi %min3A_555, %max3A_554 : vector<16xi32>
      %convert_element_type3A_557 = arith.sitofp %min3A_556 : vector<16xi32> to vector<16xf32>
      %mul3A_558 = arith.constant 1.000000e-01 : f32
      %mul3A_559 = vector.broadcast %mul3A_558 : f32 to vector<16xf32>
      %mul3A_560 = arith.mulf %convert_element_type3A_557, %mul3A_559 : vector<16xf32>
      %mul3A_561 = arith.mulf %mul3A_550, %select_n3A_531 : vector<16xf32>
      %mul3A_562 = arith.mulf %mul3A_560, %select_n3A_531 : vector<16xf32>
      %broadcast_in_dim3A_563 = arith.constant 11 : i32
      %broadcast_in_dim3A_564 = vector.broadcast %broadcast_in_dim3A_563 : i32 to vector<16xi32>
      tpu.vector_store_idx %arg11[%add3A_408, %broadcast_in_dim3A_564], %mul3A_561 : memref<512x14xf32, #tpu.memory_space<vmem>>[vector<16xi32>, vector<16xi32>], vector<16xf32>,
      %broadcast_in_dim3A_565 = arith.constant 12 : i32
      %broadcast_in_dim3A_566 = vector.broadcast %broadcast_in_dim3A_565 : i32 to vector<16xi32>
      tpu.vector_store_idx %arg11[%add3A_408, %broadcast_in_dim3A_566], %mul3A_562 : memref<512x14xf32, #tpu.memory_space<vmem>>[vector<16xi32>, vector<16xi32>], vector<16xf32>,
      %broadcast_in_dim3A_567 = arith.constant 13 : i32
      %broadcast_in_dim3A_568 = vector.broadcast %broadcast_in_dim3A_567 : i32 to vector<16xi32>
      tpu.vector_store_idx %arg11[%add3A_408, %broadcast_in_dim3A_568], %select_n3A_531 : memref<512x14xf32, #tpu.memory_space<vmem>>[vector<16xi32>, vector<16xi32>], vector<16xf32>,
      %mul3A_569 = arith.constant 4 : i32
      %mul3A_570 = arith.muli %scan3A_65, %mul3A_569 : i32
      %add3A_571 = arith.constant 3 : i32
      %add3A_572 = arith.addi %mul3A_570, %add3A_571 : i32
      %mul3A_573 = arith.constant 16 : i32
      %mul3A_574 = arith.muli %add3A_572, %mul3A_573 : i32
      %mul3A_575 = arith.constant 16 : i32
      %mul3A_576 = arith.muli %add3A_572, %mul3A_575 : i32
      %add3A_577 = vector.broadcast %mul3A_576 : i32 to vector<16xi32>
      %add3A_578 = arith.addi %add3A_577, %iota3A : vector<16xi32>
      %get3A_579 = arith.index_cast %mul3A_574 : i32 to index
      %get3A_580 = tpu.vector_load %arg7[%get3A_579] {strides = array<i32>} : memref<512xi32, #tpu.memory_space<vmem>>, vector<16xi32>,
      %add3A_581 = arith.constant 0 : i32
      %add3A_582 = vector.broadcast %add3A_581 : i32 to vector<16xi32>
      %add3A_583 = arith.addi %get3A_580, %add3A_582 : vector<16xi32>
      %reshape3A_584 = vector.shape_cast %add3A_583 : vector<16xi32> to vector<16x1xi32>
      %gather3A_585 = vector.shape_cast %reshape3A_584 : vector<16x1xi32> to vector<16xi32>
      %gather3A_586 = tpu.dynamic_gather %gather3A[%gather3A_585] in [0] : vector<16xf32>, vector<16xi32> -> vector<16xf32>
      %broadcast_in_dim3A_587 = arith.constant 0 : i32
      %broadcast_in_dim3A_588 = vector.broadcast %broadcast_in_dim3A_587 : i32 to vector<16xi32>
      tpu.vector_store_idx %arg11[%add3A_578, %broadcast_in_dim3A_588], %gather3A_586 : memref<512x14xf32, #tpu.memory_space<vmem>>[vector<16xi32>, vector<16xi32>], vector<16xf32>,
      %add3A_589 = arith.constant 4 : i32
      %add3A_590 = vector.broadcast %add3A_589 : i32 to vector<16xi32>
      %add3A_591 = arith.addi %get3A_580, %add3A_590 : vector<16xi32>
      %reshape3A_592 = vector.shape_cast %add3A_591 : vector<16xi32> to vector<16x1xi32>
      %gather3A_593 = vector.shape_cast %reshape3A_592 : vector<16x1xi32> to vector<16xi32>
      %gather3A_594 = tpu.dynamic_gather %gather3A[%gather3A_593] in [0] : vector<16xf32>, vector<16xi32> -> vector<16xf32>
      %broadcast_in_dim3A_595 = arith.constant 1 : i32
      %broadcast_in_dim3A_596 = vector.broadcast %broadcast_in_dim3A_595 : i32 to vector<16xi32>
      tpu.vector_store_idx %arg11[%add3A_578, %broadcast_in_dim3A_596], %gather3A_594 : memref<512x14xf32, #tpu.memory_space<vmem>>[vector<16xi32>, vector<16xi32>], vector<16xf32>,
      %add3A_597 = arith.constant 8 : i32
      %add3A_598 = vector.broadcast %add3A_597 : i32 to vector<16xi32>
      %add3A_599 = arith.addi %get3A_580, %add3A_598 : vector<16xi32>
      %reshape3A_600 = vector.shape_cast %add3A_599 : vector<16xi32> to vector<16x1xi32>
      %gather3A_601 = vector.shape_cast %reshape3A_600 : vector<16x1xi32> to vector<16xi32>
      %gather3A_602 = tpu.dynamic_gather %gather3A[%gather3A_601] in [0] : vector<16xf32>, vector<16xi32> -> vector<16xf32>
      %broadcast_in_dim3A_603 = arith.constant 2 : i32
      %broadcast_in_dim3A_604 = vector.broadcast %broadcast_in_dim3A_603 : i32 to vector<16xi32>
      tpu.vector_store_idx %arg11[%add3A_578, %broadcast_in_dim3A_604], %gather3A_602 : memref<512x14xf32, #tpu.memory_space<vmem>>[vector<16xi32>, vector<16xi32>], vector<16xf32>,
      %add3A_605 = arith.constant 12 : i32
      %add3A_606 = vector.broadcast %add3A_605 : i32 to vector<16xi32>
      %add3A_607 = arith.addi %get3A_580, %add3A_606 : vector<16xi32>
      %reshape3A_608 = vector.shape_cast %add3A_607 : vector<16xi32> to vector<16x1xi32>
      %gather3A_609 = vector.shape_cast %reshape3A_608 : vector<16x1xi32> to vector<16xi32>
      %gather3A_610 = tpu.dynamic_gather %gather3A[%gather3A_609] in [0] : vector<16xf32>, vector<16xi32> -> vector<16xf32>
      %broadcast_in_dim3A_611 = arith.constant 3 : i32
      %broadcast_in_dim3A_612 = vector.broadcast %broadcast_in_dim3A_611 : i32 to vector<16xi32>
      tpu.vector_store_idx %arg11[%add3A_578, %broadcast_in_dim3A_612], %gather3A_610 : memref<512x14xf32, #tpu.memory_space<vmem>>[vector<16xi32>, vector<16xi32>], vector<16xf32>,
      %add3A_613 = arith.constant 0 : i32
      %add3A_614 = vector.broadcast %add3A_613 : i32 to vector<16xi32>
      %add3A_615 = arith.addi %get3A_580, %add3A_614 : vector<16xi32>
      %reshape3A_616 = vector.shape_cast %add3A_615 : vector<16xi32> to vector<16x1xi32>
      %gather3A_617 = vector.shape_cast %reshape3A_616 : vector<16x1xi32> to vector<16xi32>
      %gather3A_618 = tpu.dynamic_gather %gather3A_59[%gather3A_617] in [0] : vector<16xf32>, vector<16xi32> -> vector<16xf32>
      %broadcast_in_dim3A_619 = arith.constant 4 : i32
      %broadcast_in_dim3A_620 = vector.broadcast %broadcast_in_dim3A_619 : i32 to vector<16xi32>
      tpu.vector_store_idx %arg11[%add3A_578, %broadcast_in_dim3A_620], %gather3A_618 : memref<512x14xf32, #tpu.memory_space<vmem>>[vector<16xi32>, vector<16xi32>], vector<16xf32>,
      %add3A_621 = arith.constant 4 : i32
      %add3A_622 = vector.broadcast %add3A_621 : i32 to vector<16xi32>
      %add3A_623 = arith.addi %get3A_580, %add3A_622 : vector<16xi32>
      %reshape3A_624 = vector.shape_cast %add3A_623 : vector<16xi32> to vector<16x1xi32>
      %gather3A_625 = vector.shape_cast %reshape3A_624 : vector<16x1xi32> to vector<16xi32>
      %gather3A_626 = tpu.dynamic_gather %gather3A_59[%gather3A_625] in [0] : vector<16xf32>, vector<16xi32> -> vector<16xf32>
      %broadcast_in_dim3A_627 = arith.constant 5 : i32
      %broadcast_in_dim3A_628 = vector.broadcast %broadcast_in_dim3A_627 : i32 to vector<16xi32>
      tpu.vector_store_idx %arg11[%add3A_578, %broadcast_in_dim3A_628], %gather3A_626 : memref<512x14xf32, #tpu.memory_space<vmem>>[vector<16xi32>, vector<16xi32>], vector<16xf32>,
      %add3A_629 = arith.constant 8 : i32
      %add3A_630 = vector.broadcast %add3A_629 : i32 to vector<16xi32>
      %add3A_631 = arith.addi %get3A_580, %add3A_630 : vector<16xi32>
      %reshape3A_632 = vector.shape_cast %add3A_631 : vector<16xi32> to vector<16x1xi32>
      %gather3A_633 = vector.shape_cast %reshape3A_632 : vector<16x1xi32> to vector<16xi32>
      %gather3A_634 = tpu.dynamic_gather %gather3A_59[%gather3A_633] in [0] : vector<16xf32>, vector<16xi32> -> vector<16xf32>
      %broadcast_in_dim3A_635 = arith.constant 6 : i32
      %broadcast_in_dim3A_636 = vector.broadcast %broadcast_in_dim3A_635 : i32 to vector<16xi32>
      tpu.vector_store_idx %arg11[%add3A_578, %broadcast_in_dim3A_636], %gather3A_634 : memref<512x14xf32, #tpu.memory_space<vmem>>[vector<16xi32>, vector<16xi32>], vector<16xf32>,
      %add3A_637 = arith.constant 12 : i32
      %add3A_638 = vector.broadcast %add3A_637 : i32 to vector<16xi32>
      %add3A_639 = arith.addi %get3A_580, %add3A_638 : vector<16xi32>
      %reshape3A_640 = vector.shape_cast %add3A_639 : vector<16xi32> to vector<16x1xi32>
      %gather3A_641 = vector.shape_cast %reshape3A_640 : vector<16x1xi32> to vector<16xi32>
      %gather3A_642 = tpu.dynamic_gather %gather3A_59[%gather3A_641] in [0] : vector<16xf32>, vector<16xi32> -> vector<16xf32>
      %broadcast_in_dim3A_643 = arith.constant 7 : i32
      %broadcast_in_dim3A_644 = vector.broadcast %broadcast_in_dim3A_643 : i32 to vector<16xi32>
      tpu.vector_store_idx %arg11[%add3A_578, %broadcast_in_dim3A_644], %gather3A_642 : memref<512x14xf32, #tpu.memory_space<vmem>>[vector<16xi32>, vector<16xi32>], vector<16xf32>,
      %get3A_645 = arith.index_cast %mul3A_574 : i32 to index
      %get3A_646 = tpu.vector_load %arg8[%get3A_645] {strides = array<i32>} : memref<512xi32, #tpu.memory_space<vmem>>, vector<16xi32>,
      %get3A_647 = arith.index_cast %mul3A_574 : i32 to index
      %get3A_648 = tpu.vector_load %arg9[%get3A_647] {strides = array<i32>} : memref<512xi32, #tpu.memory_space<vmem>>, vector<16xi32>,
      %ge3A_649 = arith.constant 0 : i32
      %ge3A_650 = vector.broadcast %ge3A_649 : i32 to vector<16xi32>
      %ge3A_651 = arith.cmpi sge, %get3A_646, %ge3A_650 : vector<16xi32>
      %jit3A_652 = arith.constant 1.000000e+00 : f32
      %jit3A_653 = arith.constant 0.000000e+00 : f32
      %broadcast_in_dim3A_654 = vector.broadcast %jit3A_652 : f32 to vector<16xf32>
      %broadcast_in_dim3A_655 = vector.broadcast %jit3A_653 : f32 to vector<16xf32>
      %select_n3A_656 = arith.select %ge3A_651, %broadcast_in_dim3A_654, %broadcast_in_dim3A_655 : vector<16xi1>, vector<16xf32>
      %convert_element_type3A_657 = arith.sitofp %get3A_646 : vector<16xi32> to vector<16xf32>
      %mul3A_658 = arith.constant 0.0588235296 : f32
      %mul3A_659 = vector.broadcast %mul3A_658 : f32 to vector<16xf32>
      %mul3A_660 = arith.mulf %convert_element_type3A_657, %mul3A_659 : vector<16xf32>
      %convert_element_type3A_661 = arith.fptosi %mul3A_660 : vector<16xf32> to vector<16xi32>
      %mul3A_662 = arith.constant 17 : i32
      %mul3A_663 = vector.broadcast %mul3A_662 : i32 to vector<16xi32>
      %mul3A_664 = arith.muli %convert_element_type3A_661, %mul3A_663 : vector<16xi32>
      %sub3A_665 = arith.subi %get3A_646, %mul3A_664 : vector<16xi32>
      %jit3A_666 = arith.constant 0 : i32
      %jit3A_667 = arith.constant 14 : i32
      %max3A_668 = vector.broadcast %jit3A_666 : i32 to vector<16xi32>
      %max3A_669 = arith.maxsi %max3A_668, %sub3A_665 : vector<16xi32>
      %min3A_670 = vector.broadcast %jit3A_667 : i32 to vector<16xi32>
      %min3A_671 = arith.minsi %min3A_670, %max3A_669 : vector<16xi32>
      %convert_element_type3A_672 = arith.sitofp %min3A_671 : vector<16xi32> to vector<16xf32>
      %mul3A_673 = arith.constant 0.0714285746 : f32
      %mul3A_674 = vector.broadcast %mul3A_673 : f32 to vector<16xf32>
      %mul3A_675 = arith.mulf %convert_element_type3A_672, %mul3A_674 : vector<16xf32>
      %jit3A_676 = arith.constant 0 : i32
      %jit3A_677 = arith.constant 10 : i32
      %max3A_678 = vector.broadcast %jit3A_676 : i32 to vector<16xi32>
      %max3A_679 = arith.maxsi %max3A_678, %convert_element_type3A_661 : vector<16xi32>
      %min3A_680 = vector.broadcast %jit3A_677 : i32 to vector<16xi32>
      %min3A_681 = arith.minsi %min3A_680, %max3A_679 : vector<16xi32>
      %convert_element_type3A_682 = arith.sitofp %min3A_681 : vector<16xi32> to vector<16xf32>
      %mul3A_683 = arith.constant 1.000000e-01 : f32
      %mul3A_684 = vector.broadcast %mul3A_683 : f32 to vector<16xf32>
      %mul3A_685 = arith.mulf %convert_element_type3A_682, %mul3A_684 : vector<16xf32>
      %mul3A_686 = arith.mulf %mul3A_675, %select_n3A_656 : vector<16xf32>
      %mul3A_687 = arith.mulf %mul3A_685, %select_n3A_656 : vector<16xf32>
      %broadcast_in_dim3A_688 = arith.constant 8 : i32
      %broadcast_in_dim3A_689 = vector.broadcast %broadcast_in_dim3A_688 : i32 to vector<16xi32>
      tpu.vector_store_idx %arg11[%add3A_578, %broadcast_in_dim3A_689], %mul3A_686 : memref<512x14xf32, #tpu.memory_space<vmem>>[vector<16xi32>, vector<16xi32>], vector<16xf32>,
      %broadcast_in_dim3A_690 = arith.constant 9 : i32
      %broadcast_in_dim3A_691 = vector.broadcast %broadcast_in_dim3A_690 : i32 to vector<16xi32>
      tpu.vector_store_idx %arg11[%add3A_578, %broadcast_in_dim3A_691], %mul3A_687 : memref<512x14xf32, #tpu.memory_space<vmem>>[vector<16xi32>, vector<16xi32>], vector<16xf32>,
      %broadcast_in_dim3A_692 = arith.constant 10 : i32
      %broadcast_in_dim3A_693 = vector.broadcast %broadcast_in_dim3A_692 : i32 to vector<16xi32>
      tpu.vector_store_idx %arg11[%add3A_578, %broadcast_in_dim3A_693], %select_n3A_656 : memref<512x14xf32, #tpu.memory_space<vmem>>[vector<16xi32>, vector<16xi32>], vector<16xf32>,
      %ge3A_694 = arith.constant 0 : i32
      %ge3A_695 = vector.broadcast %ge3A_694 : i32 to vector<16xi32>
      %ge3A_696 = arith.cmpi sge, %get3A_648, %ge3A_695 : vector<16xi32>
      %jit3A_697 = arith.constant 1.000000e+00 : f32
      %jit3A_698 = arith.constant 0.000000e+00 : f32
      %broadcast_in_dim3A_699 = vector.broadcast %jit3A_697 : f32 to vector<16xf32>
      %broadcast_in_dim3A_700 = vector.broadcast %jit3A_698 : f32 to vector<16xf32>
      %select_n3A_701 = arith.select %ge3A_696, %broadcast_in_dim3A_699, %broadcast_in_dim3A_700 : vector<16xi1>, vector<16xf32>
      %convert_element_type3A_702 = arith.sitofp %get3A_648 : vector<16xi32> to vector<16xf32>
      %mul3A_703 = arith.constant 0.0588235296 : f32
      %mul3A_704 = vector.broadcast %mul3A_703 : f32 to vector<16xf32>
      %mul3A_705 = arith.mulf %convert_element_type3A_702, %mul3A_704 : vector<16xf32>
      %convert_element_type3A_706 = arith.fptosi %mul3A_705 : vector<16xf32> to vector<16xi32>
      %mul3A_707 = arith.constant 17 : i32
      %mul3A_708 = vector.broadcast %mul3A_707 : i32 to vector<16xi32>
      %mul3A_709 = arith.muli %convert_element_type3A_706, %mul3A_708 : vector<16xi32>
      %sub3A_710 = arith.subi %get3A_648, %mul3A_709 : vector<16xi32>
      %jit3A_711 = arith.constant 0 : i32
      %jit3A_712 = arith.constant 14 : i32
      %max3A_713 = vector.broadcast %jit3A_711 : i32 to vector<16xi32>
      %max3A_714 = arith.maxsi %max3A_713, %sub3A_710 : vector<16xi32>
      %min3A_715 = vector.broadcast %jit3A_712 : i32 to vector<16xi32>
      %min3A_716 = arith.minsi %min3A_715, %max3A_714 : vector<16xi32>
      %convert_element_type3A_717 = arith.sitofp %min3A_716 : vector<16xi32> to vector<16xf32>
      %mul3A_718 = arith.constant 0.0714285746 : f32
      %mul3A_719 = vector.broadcast %mul3A_718 : f32 to vector<16xf32>
      %mul3A_720 = arith.mulf %convert_element_type3A_717, %mul3A_719 : vector<16xf32>
      %jit3A_721 = arith.constant 0 : i32
      %jit3A_722 = arith.constant 10 : i32
      %max3A_723 = vector.broadcast %jit3A_721 : i32 to vector<16xi32>
      %max3A_724 = arith.maxsi %max3A_723, %convert_element_type3A_706 : vector<16xi32>
      %min3A_725 = vector.broadcast %jit3A_722 : i32 to vector<16xi32>
      %min3A_726 = arith.minsi %min3A_725, %max3A_724 : vector<16xi32>
      %convert_element_type3A_727 = arith.sitofp %min3A_726 : vector<16xi32> to vector<16xf32>
      %mul3A_728 = arith.constant 1.000000e-01 : f32
      %mul3A_729 = vector.broadcast %mul3A_728 : f32 to vector<16xf32>
      %mul3A_730 = arith.mulf %convert_element_type3A_727, %mul3A_729 : vector<16xf32>
      %mul3A_731 = arith.mulf %mul3A_720, %select_n3A_701 : vector<16xf32>
      %mul3A_732 = arith.mulf %mul3A_730, %select_n3A_701 : vector<16xf32>
      %broadcast_in_dim3A_733 = arith.constant 11 : i32
      %broadcast_in_dim3A_734 = vector.broadcast %broadcast_in_dim3A_733 : i32 to vector<16xi32>
      tpu.vector_store_idx %arg11[%add3A_578, %broadcast_in_dim3A_734], %mul3A_731 : memref<512x14xf32, #tpu.memory_space<vmem>>[vector<16xi32>, vector<16xi32>], vector<16xf32>,
      %broadcast_in_dim3A_735 = arith.constant 12 : i32
      %broadcast_in_dim3A_736 = vector.broadcast %broadcast_in_dim3A_735 : i32 to vector<16xi32>
      tpu.vector_store_idx %arg11[%add3A_578, %broadcast_in_dim3A_736], %mul3A_732 : memref<512x14xf32, #tpu.memory_space<vmem>>[vector<16xi32>, vector<16xi32>], vector<16xf32>,
      %broadcast_in_dim3A_737 = arith.constant 13 : i32
      %broadcast_in_dim3A_738 = vector.broadcast %broadcast_in_dim3A_737 : i32 to vector<16xi32>
      tpu.vector_store_idx %arg11[%add3A_578, %broadcast_in_dim3A_738], %select_n3A_701 : memref<512x14xf32, #tpu.memory_space<vmem>>[vector<16xi32>, vector<16xi32>], vector<16xf32>,
    }
    %scan3A_64 = arith.constant 8 : i32
    "tpu.region"() ({
      %run_scoped3A = tpu.sem_alloc : memref<!tpu.dma_semaphore, #tpu.memory_space<semaphore_mem>>
      %dma_start3A_65 = arith.constant 0 : i32
      %dma_start3A_66 = tpu.memref_slice %arg6[%mul3A_2, %dma_start3A_65] : memref<16384x14xf32, #tpu.memory_space<hbm>> -> memref<512x14xf32, #tpu.memory_space<hbm>>
      %dma_start3A_67 = arith.constant 0 : i32
      %dma_start3A_68 = tpu.memref_slice %arg6[%mul3A_2, %dma_start3A_67] : memref<16384x14xf32, #tpu.memory_space<hbm>> -> memref<512x14xf32, #tpu.memory_space<hbm>>
      tpu.enqueue_dma source(%arg11 : memref<512x14xf32, #tpu.memory_space<vmem>>) target(%dma_start3A_68 : memref<512x14xf32, #tpu.memory_space<hbm>>) target_semaphore(%run_scoped3A : memref<!tpu.dma_semaphore, #tpu.memory_space<semaphore_mem>>)
      %dma_wait3A_69 = arith.constant 0 : i32
      %dma_wait3A_70 = tpu.memref_slice %arg6[%mul3A_2, %dma_wait3A_69] : memref<16384x14xf32, #tpu.memory_space<hbm>> -> memref<512x14xf32, #tpu.memory_space<hbm>>
      %dma_wait3A_71 = arith.constant 0 : i32
      %dma_wait3A_72 = tpu.memref_slice %arg6[%mul3A_2, %dma_wait3A_71] : memref<16384x14xf32, #tpu.memory_space<hbm>> -> memref<512x14xf32, #tpu.memory_space<hbm>>
      tpu.wait_dma2 semaphore(%run_scoped3A : memref<!tpu.dma_semaphore, #tpu.memory_space<semaphore_mem>>) src(%arg11 : memref<512x14xf32, #tpu.memory_space<vmem>>) dst(%dma_wait3A_72 : memref<512x14xf32, #tpu.memory_space<hbm>>)
      tpu.yield
    }) : () -> ()
    return
  }
}

</mosaic_0001>

<sc_bundles>
// kernel: _run.3.cloned.1.call-start
scs
__scs_entry_jumppad:
0x0: {  	(pc) =	sbr.rel $0x88, $3  }
0x1: {  	(tag) =	ssettag $0x0;
	lr =	simm.s32 $0x1  }
0x2: {  	[smem:$0x3F9D] =	sst lr;
	_ =	strace $0xD0000000  }
0x3: {  	_ = 	snop  }
0x4: {  	_ = 	snop  }
0x5: {  	_ = 	snop  }
0x6: {  	_ = 	snop  }
0x7: {  	_ = 	snop  }
__scs_overlays_trampoline_lowered:
0x8: {  	[smem:$0x3FAC] =	sst s0  }
0x9: {  	[smem:$0x3FAD] =	sst s1  }
0xa: {  	[smem:$0x3FAE] =	sst s2  }
0xb: {  	[smem:$0x3FAF] =	sst s3  }
0xc: {  	[smem:$0x3FB0] =	sst s4  }
0xd: {  	[smem:$0x3FB1] =	sst s5  }
0xe: {  	[smem:$0x3FB2] =	sst s6  }
0xf: {  	[smem:$0x3FB3] =	sst s7  }
0x10: {  	[smem:$0x3FB4] =	sst s8  }
0x11: {  	[smem:$0x3FB5] =	sst s9;
	s0 =	simm.s32 @!p0 $0x0  }
0x12: {  	s1 =	sld [smem:$0x3F9B];
	s0 =	simm.s32 @p0 $0x1  }
0x13: {  	[smem:$0x3FB6] =	sst s0;
	s0 =	simm.s32 @!p1 $0x0  }
0x14: {  	s2 =	sld [smem:$0x3F9A];
	s0 =	simm.s32 @p1 $0x1  }
0x15: {  	[smem:$0x3FB7] =	sst s0;
	s0 =	simm.s32 @!p2 $0x0  }
0x16: {  	s3 =	sld [smem:$0x3FDB];
	s0 =	simm.s32 @p2 $0x1  }
0x17: {  	s4 =	simm.s32 $0x1BF5;
	[smem:$0x3FB9] =	sst s0  }
0x18: {  	s0 =	sld [smem:$0x3F9C];
	_ =	swait.ge [sflag:s4], $0x0  }
0x19: {  	s7 =	sld [smem:$0x3F9D]  }
0x1a: {  	s8 =	sadd.s32 $0xFFFFE003, lr  }
0x1b: {  	s9 =	sadd.s32 $0xFFFFFEF7, lr;
	s5 =	simm.s32 $0xFFFFFFFF;
	p2 =	slt.u32 s8, $0xFFFFF086  }
0x1c: {  	p1 =	slt.u32 s9, $0xF7A;
	s5 =	simm.s32 @!p2 $0x0  }
0x1d: {  	s5 =	simm.s32 @p1 $0x1;
	p0 =	seq.s32 s7, s2  }
0x1e: {  	s7 =	smul.u32 @!p0 $0xF7A, s2;
	p2 =	seq.s32 @!p0 s5, $0x0  }
0x1f: {  	s9 =	smul.u32 $0xF7A, s1;
	s8 =	simm.s32 @!p0 $0x1BF5;
	p2 =	por !p2, p0  }
0x20: {  	[sflag:s8] =	ssyncset.s32 @!p0 $0xFFFFF086;
	s6 =	sadd.s32 @!p0 s3, s7;
	s7 =	simm.s32 @!p0 $0x108  }
0x21: {  	s3 =	sadd.s32 s3, s9;
	s6 =	sadd.s32 @!p0 $0x88, s6;
	s7 =	simm.s32 @p2 $0x1082  }
0x22: {  	[simem:s7], [sflag:s8] =	dma.local @!p0 [hbm:s6], $0xF7A  }
0x23: {  	s9 =	sor.u32 $0xD0000000, s2;
	s6 =	simm.s32 $0x108;
	_ =	swait.ge @!p0 [sflag:s8], $0x0  }
0x24: {  	s3 =	sadd.s32 $0x88, s3;
	s6 =	simm.s32 @!p1 $0x1082;
	[sflag:s4] =	ssyncset.s32 $0xFFFFF086  }
0x25: {  	[simem:s6], [sflag:s4] =	dma.local [hbm:s3], $0xF7A  }
0x26: {  	[smem:$0x3F9D] =	sst s1;
	(tag) =	ssettag s2;
	_ =	strace s9  }
0x27: {  	s1 =	sld [smem:$0x3FAD]  }
0x28: {  	s2 =	sld [smem:$0x3FAE]  }
0x29: {  	s4 =	sld [smem:$0x3FB0]  }
0x2a: {  	p0 =	seq.s32 s5, $0x0;
	s5 =	sld [smem:$0x3FB1]  }
0x2b: {  	s6 =	sld [smem:$0x3FB2]  }
0x2c: {  	s7 =	sld [smem:$0x3FB3]  }
0x2d: {  	s3 =	simm.s32 $0x108;
	s8 =	sld [smem:$0x3FB4]  }
0x2e: {  	s3 =	simm.s32 @!p0 $0x1082;
	s9 =	sld [smem:$0x3FB5]  }
0x2f: {  	lr =	sadd.s32 s0, s3;
	s0 =	sld [smem:$0x3FAC]  }
0x30: {  	s3 =	sld [smem:$0x3FAF]  }
0x31: {  	[smem:$0x3FB8] =	sst s10  }
0x32: {  	s10 =	sld [smem:$0x3FB6];
	_ =	sdelay $0x3  }
0x33: {  	p0 =	seq.s32 s10, $0x1;
	s10 =	sld [smem:$0x3FB8];
	_ =	sdelay $0x3  }
0x34: {  	[smem:$0x3FB8] =	sst s10  }
0x35: {  	s10 =	sld [smem:$0x3FB7];
	_ =	sdelay $0x3  }
0x36: {  	p1 =	seq.s32 s10, $0x1;
	s10 =	sld [smem:$0x3FB8];
	_ =	sdelay $0x3  }
0x37: {  	[smem:$0x3FB8] =	sst s10  }
0x38: {  	s10 =	sld [smem:$0x3FB9]  }
0x39: {  	_ = 	snop;
	(pc) =	sbr.ind lr, $3  }
0x3a: {  	_ = 	snop  }
0x3b: {  	_ = 	snop  }
0x3c: {  	p2 =	seq.s32 s10, $0x1;
	s10 =	sld [smem:$0x3FB8]  }
0x3d: {  	_ =	shalt  }
0x3e: {  	_ =	shalt  }
0x3f: {  	_ =	shalt  }
0x40: {  	_ =	shalt  }
0x41: {  	_ =	shalt  }
0x42: {  	_ =	shalt  }
0x43: {  	_ =	shalt  }
0x44: {  	_ =	shalt  }
0x45: {  	_ =	shalt  }
0x46: {  	_ =	shalt  }
0x47: {  	_ =	shalt  }
0x48: {  	_ =	shalt  }
0x49: {  	_ =	shalt  }
0x4a: {  	_ =	shalt  }
0x4b: {  	_ =	shalt  }
0x4c: {  	_ =	shalt  }
0x4d: {  	_ =	shalt  }
0x4e: {  	_ =	shalt  }
0x4f: {  	_ =	shalt  }
0x50: {  	_ =	shalt  }
0x51: {  	_ =	shalt  }
0x52: {  	_ =	shalt  }
0x53: {  	_ =	shalt  }
0x54: {  	_ =	shalt  }
0x55: {  	_ =	shalt  }
0x56: {  	_ =	shalt  }
0x57: {  	_ =	shalt  }
0x58: {  	_ =	shalt  }
0x59: {  	_ =	shalt  }
0x5a: {  	_ =	shalt  }
0x5b: {  	_ =	shalt  }
0x5c: {  	_ =	shalt  }
0x5d: {  	_ =	shalt  }
0x5e: {  	_ =	shalt  }
0x5f: {  	_ =	shalt  }
0x60: {  	_ =	shalt  }
0x61: {  	_ =	shalt  }
0x62: {  	_ =	shalt  }
0x63: {  	_ =	shalt  }
0x64: {  	_ =	shalt  }
0x65: {  	_ =	shalt  }
0x66: {  	_ =	shalt  }
0x67: {  	_ =	shalt  }
0x68: {  	_ =	shalt  }
0x69: {  	_ =	shalt  }
0x6a: {  	_ =	shalt  }
0x6b: {  	_ =	shalt  }
0x6c: {  	_ =	shalt  }
0x6d: {  	_ =	shalt  }
0x6e: {  	_ =	shalt  }
0x6f: {  	_ =	shalt  }
0x70: {  	_ =	shalt  }
0x71: {  	_ =	shalt  }
0x72: {  	_ =	shalt  }
0x73: {  	_ =	shalt  }
0x74: {  	_ =	shalt  }
0x75: {  	_ =	shalt  }
0x76: {  	_ =	shalt  }
0x77: {  	_ =	shalt  }
0x78: {  	_ =	shalt  }
0x79: {  	_ =	shalt  }
0x7a: {  	_ =	shalt  }
0x7b: {  	_ =	shalt  }
0x7c: {  	_ =	shalt  }
0x7d: {  	_ =	shalt  }
0x7e: {  	_ =	shalt  }
0x7f: {  	_ =	shalt  }
0x80: {  	_ =	shalt  }
0x81: {  	_ =	shalt  }
0x82: {  	_ =	shalt  }
0x83: {  	_ =	shalt  }
0x84: {  	_ =	shalt  }
0x85: {  	_ =	shalt  }
0x86: {  	_ =	shalt  }
0x87: {  	_ =	shalt  }
.Lfunc_end0:
.L_simem_size_0:
called_computation_lowered:
.L_overlay_start_0:
0x88: {  	s2 =	sld [smem:$0x3FD9]  }
0x89: {  	s3 =	sld [smem:$0x3FFE];
	_ =	sdelay $0x1  }
0x8a: {  	s1 =	srdreg.scid  }
0x8b: {  	s0 =	sand.u32 $0x1, s1  }
0x8c: {  	s17 =	sshll.u32 s0, $0xA;
	s2 =	sadd.s32 s3, s2  }
0x8d: {  	s2 =	sadd.s32 s2, s17  }
0x8e: {  	[smem:$0x3FC4] =	sst s2  }
0x8f: {  	_ = 	snop  }
0x90: {  	s2 =	sld [smem:$0x3FC9]  }
0x91: {  	s18 =	sld [smem:$0x3FC8]  }
0x92: {  	s4 =	sld [smem:$0x3FC7]  }
0x93: {  	s5 =	sld [smem:$0x3FC6];
	(tm) =	ssettm $0x1  }
0x94: {  	s6 =	sld [smem:$0x3FFB];
	_ =	sdelay $0x3  }
0x95: {  	_ =	strace s6  }
0x96: {  	s6 =	sld [smem:$0x3FFC];
	_ =	sdelay $0x3  }
0x97: {  	_ =	strace s6  }
0x98: {  	s6 =	sld [smem:$0x3FFD];
	_ =	sdelay $0x3  }
0x99: {  	_ =	strace s6  }
0x9a: {  	_ =	strace $0x8FFFFFFF  }
0x9b: {  	s19 =	sld [smem:$0x3FDB];
	_ =	sdelay $0x1  }
0x9c: {  	s7 =	simm.s32 $_scs_section_size  }
0x9d: {  	s8 =	simm.s32 $_size__tile_overlayer_lowered;
	s9 =	simm.s32 $_tile_overlayer_lowered  }
0x9e: {  	s22 =	simm.s32 $0x1BFF;
	s21 =	sshll.u32 s9, $0x1;
	s6 =	sadd.s32 s7, s19  }
0x9f: {  	s10 =	simm.s32 $0x0;
	s20 =	sshll.u32 s8, $0x1;
	s8 =	sadd.s32 s21, s6  }
0xa0: {  	[timem:s10], [sflag:s22] =	dma.local [hbm:s8], s20  }
0xa1: {  	_ =	swait.ge [sflag:s22], s20  }
0xa2: {  	s7 =	ssub.s32 $0x0, s20;
	[sflag:s22] =	ssyncset.done $0x0  }
0xa3: {  	[sflag:s22] =	ssyncadd.s32 s7;
	_ =	sdelay $0x1  }
0xa4: {  	s23 =	simm.s32 $0x1B8B  }
0xa5: {  	_ =	swait.ge [sflag:s23], $0x1  }
0xa6: {  	[sflag:s23] =	ssyncset.done $0x0  }
0xa7: {  	s25 =	simm.s32 $0x1B8E;
	s24 =	sld [smem:$0x3FFE];
	[sflag:s23] =	ssyncadd.s32 $0xFFFFFFFF  }
0xa8: {  	s26 =	simm.s32 $execute0_lowered;
	[smem:$0x3FD2] =	sst s25  }
0xa9: {  	s8 =	sshll.u32 s26, $0x1;
	_ =	strace $0x80000046;
	[dreg:$0x1] =	wrdreg $0xFFFFFFFF  }
0xaa: {  	s28 =	simm.s32 $_size_execute0_lowered;
	s6 =	sadd.s32 s6, s8;
	[dreg:$0x0] =	wrdreg $0x0  }
0xab: {  	s8 =	sshll.u32 s28, $0x1;
	[dreg:$0x2] =	wrdreg s6  }
0xac: {  	[dreg:$0x3] =	wrdreg s8  }
0xad: {  	[dreg:$0x4] =	wrdreg $0xC0  }
0xae: {  	_ =	task [dreg:s10], $0x5FFFF  }
0xaf: {  	[dreg:$0x1] =	wrdreg $0xFFFFFFFF  }
0xb0: {  	[dreg:$0x0] =	wrdreg $0x60  }
0xb1: {  	[dreg:$0x2] =	wrdreg s2  }
0xb2: {  	[dreg:$0x3] =	wrdreg s18  }
0xb3: {  	[dreg:$0x4] =	wrdreg s4  }
0xb4: {  	[dreg:$0x5] =	wrdreg s5  }
0xb5: {  	[dreg:$0x6] =	wrdreg s24  }
0xb6: {  	[dreg:$0x7] =	wrdreg $0x9  }
0xb7: {  	_ =	task.clear_ibuf [dreg:s10], $0x8FFFF;
	_ =	strace $0x90000046  }
0xb8: {  	s29 =	simm.s32 $0x9;
	_ =	strace $0x80000048  }
0xb9: {  	_ =	swait.ge [sflag:s29], $0x1  }
0xba: {  	[sflag:s29] =	ssyncadd.s32 $0xFFFFFFFF  }
0xbb: {  	_ =	strace $0x90000048  }
0xbc: {  	_ =	sfence  }
0xbd: {  	s30 =	sld [smem:$0x0];
	_ =	sdelay $0x2  }
0xbe: {  	s31 =	sshll.u32 s1, $0xD;
	s1 =	sshrl.u32 s1, $0x2  }
0xbf: {  	s3 =	sand.u32 $0x4000, s31;
	s1 =	sadd.s32 s1, s30  }
0xc0: {  	s0 =	sor.u32 s3, s0;
	s1 =	sshll.u32 s1, $0x11  }
0xc1: {  	s0 =	sor.u32 s1, s0  }
0xc2: {  	s0 =	sadd.s32 $0x8F2B, s0  }
0xc3: {  	[sflag:s0] =	ssyncadd.remote.s32 $0x1  }
0xc4: {  	_ =	sfence.sel $0xFFFF  }
0xc5: {  	[dreg:$0x0] =	wrdreg $0xFFFFFFFF;
	(pc) =	sbr.abs _section_cstart, $3  }
0xc6: {  	[dreg:$0x1] =	wrdreg $0xFFFFFFFF  }
0xc7: {  	_ =	task.clear_ibuf [dreg:s10], $0x2FFFF;
	_ =	strace $0x9FFFFFFF  }
0xc8: {  	(tm) =	ssettm $0x7FFFFFFF  }
0xc9: {  	_ =	shalt  }
tec
execute0_lowered:
.L_overlay_start_1:
0x0: {  	(tag) =	ssettag $0x1  }
0x1: {  	v0 =	vimm.s32 $0x183;
	vm0 =	vcmask $0x300  }
0x2: {  	vm1 =	vcmask $0x704;
	v1 =	vimm.s32 $0x187;
	vm2 =	vcmask $0xB08  }
0x3: {  	vm4 =	vcmask $0xF0C;
	v0 =	vsel vm0, $0x0, v0;
	v1 =	vsel vm0, $0x4, v1  }
0x4: {  	s4 =	rddreg [dreg:$0x0];
	vm5 =	vcmask $0x1310;
	v0 =	vsel vm1, $0x80, v0;
	v1 =	vsel vm1, $0x84, v1  }
0x5: {  	s5 =	rddreg [dreg:$0x1];
	vm6 =	vcmask $0x1714;
	v0 =	vsel vm2, $0x100, v0;
	v1 =	vsel vm2, $0x104, v1  }
0x6: {  	s6 =	rddreg [dreg:$0x2];
	vm7 =	vcmask $0x1B18;
	v0 =	vsel vm4, $0x180, v0;
	v1 =	vsel vm4, $0x184, v1  }
0x7: {  	s0 =	rddreg [dreg:$0x3];
	vm8 =	vcmask $0x1F1C;
	v0 =	vsel vm5, $0x1, v0;
	v1 =	vsel vm5, $0x5, v1  }
0x8: {  	s7 =	rddreg [dreg:$0x4];
	s3 =	srdreg.scid;
	vm9 =	vcmask $0x2320;
	v0 =	vsel vm6, $0x81, v0;
	v1 =	vsel vm6, $0x85, v1  }
0x9: {  	s1 =	rddreg [dreg:$0x5];
	s2 =	stileid.u32;
	vm10 =	vcmask $0x2724;
	s12 =	simm.s32 $0x1;
	v0 =	vsel vm7, $0x101, v0;
	v1 =	vsel vm7, $0x105, v1  }
0xa: {  	vm11 =	vcmask $0x2B28;
	s13 =	simm.s32 $0x800;
	s14 =	simm.s32 $0x2;
	s15 =	simm.s32 $0x0;
	v0 =	vsel vm8, $0x181, v0;
	v1 =	vsel vm8, $0x185, v1  }
0xb: {  	vm12 =	vcmask $0x2F2C;
	s8 =	sand.u32 $0x1, s3;
	s3 =	simm.s32 $0x0;
	s9 =	sshll.u32 s2, $0xA;
	v0 =	vsel vm9, $0x2, v0;
	v1 =	vsel vm9, $0x6, v1  }
0xc: {  	vm13 =	vcmask $0x3330;
	s10 =	sshll.u32 s8, $0x9;
	[smem:$0x7FF] =	sst s3;
	s8 =	ssub.s32 $0x2, s8;
	v0 =	vsel vm10, $0x82, v0;
	v1 =	vsel vm10, $0x86, v1  }
0xd: {  	vm14 =	vcmask $0x3734;
	s9 =	sor.u32 s10, s9;
	_ =	strace $0x80000047;
	s11 =	sshrl.u32 s8, $0x1;
	v0 =	vsel vm11, $0x102, v0;
	v1 =	vsel vm11, $0x106, v1  }
0xe: {  	vm15 =	vcmask $0x3B38;
	s10 =	sshll.u32 s9, $0x4;
	s8 =	ssub.s32 s8, s11;
	s9 =	sshrl.u32 s9, $0x3;
	v0 =	vsel vm12, $0x182, v0;
	v1 =	vsel vm12, $0x186, v1  }
0xf: {  	v2 =	vlaneseq.u32;
	s11 =	simm.s32 $0x400;
	s7 =	sadd.s32 s10, s7;
	s4 =	sadd.s32 s4, s9;
	v0 =	vsel vm13, $0x3, v0;
	v1 =	vsel vm13, $0x7, v1  }
0x10: {  	v3 =	vimm.f32 $0.0e+00;
	s5 =	sadd.s32 s5, s9;
	s6 =	sadd.s32 s6, s9;
	s8 =	smax.u32 s8, $0x1;
	v0 =	vsel vm14, $0x83, v0;
	v1 =	vsel vm14, $0x87, v1  }
0x11: {  	v2 =	vmul.u32 $0x80, v2;
	s9 =	simm.s32 $0x600;
	s10 =	simm.s32 $0x200;
	s7 =	sadd.s32 $0x400, s7;
	v0 =	vsel vm15, $0x103, v0;
	v1 =	vsel vm15, $0x107, v1  }
.LBB2_1:
0x12: {  	[tilespmem:s9], [sflag:$0x1] =	stream.linear.gather [hbm4b:s0+s3], $0x200, $0x38;
	[tilespmem:$0x10800] =	vst v63  }
0x13: {  	_ = 	snop  }
0x14: {  	[tilespmem:s3], [sflag:$0x1] =	stream.linear.gather [hbm4b:s4+s3], $0x200, $0x38;
	[tilespmem:$0x10800] =	vst v63  }
0x15: {  	_ = 	snop  }
0x16: {  	[tilespmem:s10], [sflag:$0x1] =	stream.linear.gather [hbm4b:s5+s3], $0x200, $0x38;
	[tilespmem:$0x10800] =	vst v63  }
0x17: {  	_ = 	snop  }
0x18: {  	[tilespmem:s11], [sflag:$0x1] =	stream.linear.gather [hbm4b:s6+s3], $0x200, $0x38;
	[tilespmem:$0x10800] =	vst v63  }
0x19: {  	_ =	swait.ge [sflag:s12], $0x200  }
0x1a: {  	[sflag:s12] =	ssyncset.done $0x0  }
0x1b: {  	[sflag:s12] =	ssyncadd.s32 $0xFFFFFE00  }
0x1c: {  	_ =	swait.ge [sflag:s12], $0x200  }
0x1d: {  	[sflag:s12] =	ssyncset.done $0x0  }
0x1e: {  	[sflag:s12] =	ssyncadd.s32 $0xFFFFFE00  }
0x1f: {  	_ =	swait.ge [sflag:s12], $0x200  }
0x20: {  	[sflag:s12] =	ssyncset.done $0x0  }
0x21: {  	[sflag:s12] =	ssyncadd.s32 $0xFFFFFE00  }
0x22: {  	_ =	swait.ge [sflag:s12], $0x200  }
0x23: {  	[sflag:s12] =	ssyncset.done $0x0  }
0x24: {  	[sflag:s12] =	ssyncadd.s32 $0xFFFFFE00  }
0x25: {  	s16 =	simm.s32 $0x20;
	v4 =	vld.idx.msk [tilespmem:v0+s9+$0x0], $0xffff  }
0x26: {  	v5 =	vmov s3;
	v6 =	vld [tilespmem:s16+$0xFFFFFFE0]  }
0x27: {  	v5 =	vshll.u32 v5, $0x7  }
0x28: {  	v7 =	vor.u32 v2, v5  }
0x29: {  	v8 =	vor.u32 $0x1, v7  }
0x2a: {  	v9 =	vor.u32 $0x2, v7;
	v5 =	vld.idx.msk [tilespmem:v1+s9+$0x0], $0xffff  }
0x2b: {  	v10 =	vor.u32 $0x3, v7;
	v11 =	vperm.xlane v4, v6;
	v12 =	vadd.s32 $0x4, v6  }
0x2c: {  	v15 =	vor.u32 $0x4, v7;
	v13 =	vadd.s32 $0x8, v6;
	v14 =	vperm.xlane v4, v12  }
0x2d: {  	v17 =	vor.u32 $0x5, v7;
	v16 =	vadd.s32 $0xC, v6;
	v25 =	vperm.xlane v4, v13;
	[tilespmem:v7+s13+$0x0] =	vst.idx.msk $0xffff, v11  }
0x2e: {  	v26 =	vor.u32 $0x6, v7;
	[tilespmem:v8+s13+$0x0] =	vst.idx.msk $0xffff, v14;
	v8 =	vperm.xlane v4, v16  }
0x2f: {  	v27 =	vor.u32 $0x7, v7;
	v6 =	vperm.xlane v5, v6;
	[tilespmem:v9+s13+$0x0] =	vst.idx.msk $0xffff, v25  }
0x30: {  	[tilespmem:v10+s13+$0x0] =	vst.idx.msk $0xffff, v8;
	v8 =	vperm.xlane v5, v12  }
0x31: {  	[tilespmem:v15+s13+$0x0] =	vst.idx.msk $0xffff, v6;
	v6 =	vperm.xlane v5, v13  }
0x32: {  	[tilespmem:v17+s13+$0x0] =	vst.idx.msk $0xffff, v8;
	v8 =	vperm.xlane v5, v16  }
0x33: {  	[tilespmem:v26+s13+$0x0] =	vst.idx.msk $0xffff, v6  }
0x34: {  	s17 =	simm.s32 $0x220;
	[tilespmem:v27+s13+$0x0] =	vst.idx.msk $0xffff, v8  }
0x35: {  	v6 =	vld [tilespmem:s17+$0xFFFFFFE0];
	_ =	sdelay $0x1  }
0x36: {  	s18 =	simm.s32 $0x420  }
0x37: {  	v8 =	vld [tilespmem:s18+$0xFFFFFFE0];
	_ =	sdelay $0x1  }
0x38: {  	v28 =	vcvt.s32.f32 v6;
	_ =	sdelay $0x1  }
0x39: {  	v9 =	vmul.f32 $5.882352960e-02, v28  }
0x3a: {  	v29 =	vcvt.s32.f32 v8  }
0x3b: {  	v9 =	vtrunc.f32 v9  }
0x3c: {  	v10 =	vmul.f32 $5.882352960e-02, v29;
	v9 =	vcvt.f32.s32 v9;
	_ =	sdelay $0x1  }
0x3d: {  	v10 =	vtrunc.f32 v10;
	v30 =	vmul.u32 $0xFFFFFFEF, v9  }
0x3e: {  	v32 =	vor.u32 $0x9, v7;
	v33 =	vor.u32 $0x8, v7;
	v10 =	vcvt.f32.s32 v10  }
0x3f: {  	v35 =	vor.u32 $0xA, v7;
	vm0 =	vgt.s32 v6, $0xFFFFFFFF;
	v6 =	vadd.s32 v6, v30  }
0x40: {  	vm2 =	vgt.s32 v8, $0xFFFFFFFF;
	v31 =	vmul.u32 $0xFFFFFFEF, v10;
	vm7 =	vgt.s32 v6, $0x0  }
0x41: {  	v34 =	vsel vm0, $0x3F800000, v3;
	vm1 =	vgt.s32 v9, $0x0;
	v6 =	vnsel vm7, $0x0, v6  }
0x42: {  	v9 =	vnsel vm1, $0x0, v9;
	v8 =	vadd.s32 v8, v31;
	v6 =	vmin.u32 v6, $0xE  }
0x43: {  	v9 =	vmin.u32 v9, $0xA;
	vm9 =	vgt.s32 v8, $0x0;
	v6 =	vcvt.s32.f32 v6  }
0x44: {  	vm8 =	vgt.s32 v10, $0x0;
	v9 =	vcvt.s32.f32 v9;
	v8 =	vnsel vm9, $0x0, v8  }
0x45: {  	v10 =	vnsel vm8, $0x0, v10;
	v8 =	vmin.u32 v8, $0xE;
	v6 =	vmul.f32 $7.142857460e-02, v6  }
0x46: {  	v10 =	vmin.u32 v10, $0xA;
	v9 =	vmul.f32 $1.000000010e-01, v9;
	v8 =	vcvt.s32.f32 v8  }
0x47: {  	v36 =	vor.u32 $0xB, v7;
	v10 =	vcvt.s32.f32 v10;
	v6 =	vmul.f32 v6, v34  }
0x48: {  	v37 =	vor.u32 $0xC, v7;
	v9 =	vmul.f32 v9, v34;
	v8 =	vmul.f32 $7.142857460e-02, v8  }
0x49: {  	v7 =	vor.u32 $0xD, v7;
	v10 =	vmul.f32 $1.000000010e-01, v10;
	[tilespmem:v33+s13+$0x0] =	vst.idx.msk $0xffff, v6;
	v6 =	vsel vm2, $0x3F800000, v3  }
0x4a: {  	[tilespmem:v32+s13+$0x0] =	vst.idx.msk $0xffff, v9;
	v8 =	vmul.f32 v8, v6  }
0x4b: {  	v38 =	vmul.f32 v10, v6;
	[tilespmem:v35+s13+$0x0] =	vst.idx.msk $0xffff, v34  }
0x4c: {  	[tilespmem:v36+s13+$0x0] =	vst.idx.msk $0xffff, v8  }
0x4d: {  	[tilespmem:v37+s13+$0x0] =	vst.idx.msk $0xffff, v38  }
0x4e: {  	s19 =	simm.s32 $0x10;
	[tilespmem:v7+s13+$0x0] =	vst.idx.msk $0xffff, v6  }
0x4f: {  	v6 =	vmov s19;
	v7 =	vld [tilespmem:s16+$0xFFFFFFF0]  }
0x50: {  	v6 =	vshll.u32 v6, $0x7  }
0x51: {  	v6 =	vor.u32 v2, v6  }
0x52: {  	v8 =	vor.u32 $0x1, v6  }
0x53: {  	v39 =	vor.u32 $0x2, v6  }
0x54: {  	v40 =	vor.u32 $0x3, v6;
	v41 =	vperm.xlane v4, v7;
	v42 =	vadd.s32 $0x4, v7  }
0x55: {  	v45 =	vor.u32 $0x4, v6;
	v43 =	vadd.s32 $0x8, v7;
	v44 =	vperm.xlane v4, v42  }
0x56: {  	v48 =	vor.u32 $0x5, v6;
	v46 =	vadd.s32 $0xC, v7;
	v47 =	vperm.xlane v4, v43;
	[tilespmem:v6+s13+$0x0] =	vst.idx.msk $0xffff, v41  }
0x57: {  	v49 =	vor.u32 $0x6, v6;
	[tilespmem:v8+s13+$0x0] =	vst.idx.msk $0xffff, v44;
	v8 =	vperm.xlane v4, v46  }
0x58: {  	v50 =	vor.u32 $0x7, v6;
	v7 =	vperm.xlane v5, v7;
	[tilespmem:v39+s13+$0x0] =	vst.idx.msk $0xffff, v47  }
0x59: {  	[tilespmem:v40+s13+$0x0] =	vst.idx.msk $0xffff, v8;
	v8 =	vperm.xlane v5, v42  }
0x5a: {  	[tilespmem:v45+s13+$0x0] =	vst.idx.msk $0xffff, v7;
	v7 =	vperm.xlane v5, v43  }
0x5b: {  	[tilespmem:v48+s13+$0x0] =	vst.idx.msk $0xffff, v8;
	v8 =	vperm.xlane v5, v46  }
0x5c: {  	[tilespmem:v49+s13+$0x0] =	vst.idx.msk $0xffff, v7  }
0x5d: {  	[tilespmem:v50+s13+$0x0] =	vst.idx.msk $0xffff, v8  }
0x5e: {  	v7 =	vld [tilespmem:s17+$0xFFFFFFF0];
	_ =	sdelay $0x2  }
0x5f: {  	v8 =	vld [tilespmem:s18+$0xFFFFFFF0];
	_ =	sdelay $0x1  }
0x60: {  	v51 =	vcvt.s32.f32 v7;
	_ =	sdelay $0x1  }
0x61: {  	v9 =	vmul.f32 $5.882352960e-02, v51  }
0x62: {  	v52 =	vcvt.s32.f32 v8  }
0x63: {  	v9 =	vtrunc.f32 v9  }
0x64: {  	v10 =	vmul.f32 $5.882352960e-02, v52;
	v9 =	vcvt.f32.s32 v9;
	_ =	sdelay $0x1  }
0x65: {  	v10 =	vtrunc.f32 v10;
	v53 =	vmul.u32 $0xFFFFFFEF, v9  }
0x66: {  	v55 =	vor.u32 $0xA, v6;
	v56 =	vor.u32 $0x9, v6;
	v10 =	vcvt.f32.s32 v10  }
0x67: {  	v57 =	vor.u32 $0x8, v6;
	vm10 =	vgt.s32 v7, $0xFFFFFFFF;
	v7 =	vadd.s32 v7, v53  }
0x68: {  	vm12 =	vgt.s32 v8, $0xFFFFFFFF;
	v54 =	vmul.u32 $0xFFFFFFEF, v10;
	vm13 =	vgt.s32 v7, $0x0  }
0x69: {  	v58 =	vsel vm10, $0x3F800000, v3;
	vm11 =	vgt.s32 v9, $0x0;
	v7 =	vnsel vm13, $0x0, v7  }
0x6a: {  	v9 =	vnsel vm11, $0x0, v9;
	v8 =	vadd.s32 v8, v54;
	v7 =	vmin.u32 v7, $0xE  }
0x6b: {  	v9 =	vmin.u32 v9, $0xA;
	vm15 =	vgt.s32 v8, $0x0;
	v7 =	vcvt.s32.f32 v7  }
0x6c: {  	vm14 =	vgt.s32 v10, $0x0;
	v9 =	vcvt.s32.f32 v9;
	v8 =	vnsel vm15, $0x0, v8  }
0x6d: {  	v10 =	vnsel vm14, $0x0, v10;
	v8 =	vmin.u32 v8, $0xE;
	v7 =	vmul.f32 $7.142857460e-02, v7  }
0x6e: {  	v10 =	vmin.u32 v10, $0xA;
	v9 =	vmul.f32 $1.000000010e-01, v9;
	v8 =	vcvt.s32.f32 v8  }
0x6f: {  	v59 =	vor.u32 $0xB, v6;
	v10 =	vcvt.s32.f32 v10;
	v7 =	vmul.f32 v7, v58  }
0x70: {  	v60 =	vor.u32 $0xC, v6;
	v9 =	vmul.f32 v9, v58;
	v8 =	vmul.f32 $7.142857460e-02, v8  }
0x71: {  	v6 =	vor.u32 $0xD, v6;
	v10 =	vmul.f32 $1.000000010e-01, v10;
	[tilespmem:v57+s13+$0x0] =	vst.idx.msk $0xffff, v7;
	v7 =	vsel vm12, $0x3F800000, v3  }
0x72: {  	[tilespmem:v56+s13+$0x0] =	vst.idx.msk $0xffff, v9;
	v8 =	vmul.f32 v8, v7  }
0x73: {  	v61 =	vmul.f32 v10, v7;
	[tilespmem:v55+s13+$0x0] =	vst.idx.msk $0xffff, v58  }
0x74: {  	[tilespmem:v59+s13+$0x0] =	vst.idx.msk $0xffff, v8  }
0x75: {  	[tilespmem:v60+s13+$0x0] =	vst.idx.msk $0xffff, v61  }
0x76: {  	s30 =	simm.s32 $0x20;
	[tilespmem:v6+s13+$0x0] =	vst.idx.msk $0xffff, v7  }
0x77: {  	v6 =	vmov s30;
	v7 =	vld [tilespmem:s16+$0x0]  }
0x78: {  	v6 =	vshll.u32 v6, $0x7  }
0x79: {  	v6 =	vor.u32 v2, v6  }
0x7a: {  	v8 =	vor.u32 $0x1, v6  }
0x7b: {  	v62 =	vor.u32 $0x2, v6  }
0x7c: {  	v63 =	vor.u32 $0x3, v6;
	v20 =	vperm.xlane v4, v7;
	v21 =	vadd.s32 $0x4, v7  }
0x7d: {  	v24 =	vor.u32 $0x4, v6;
	v22 =	vadd.s32 $0x8, v7;
	v23 =	vperm.xlane v4, v21  }
0x7e: {  	v27 =	vor.u32 $0x5, v6;
	v25 =	vadd.s32 $0xC, v7;
	v26 =	vperm.xlane v4, v22;
	[tilespmem:v6+s13+$0x0] =	vst.idx.msk $0xffff, v20  }
0x7f: {  	v28 =	vor.u32 $0x6, v6;
	[tilespmem:v8+s13+$0x0] =	vst.idx.msk $0xffff, v23;
	v8 =	vperm.xlane v4, v25  }
0x80: {  	v29 =	vor.u32 $0x7, v6;
	v7 =	vperm.xlane v5, v7;
	[tilespmem:v62+s13+$0x0] =	vst.idx.msk $0xffff, v26  }
0x81: {  	[tilespmem:v63+s13+$0x0] =	vst.idx.msk $0xffff, v8;
	v8 =	vperm.xlane v5, v21  }
0x82: {  	[tilespmem:v24+s13+$0x0] =	vst.idx.msk $0xffff, v7;
	v7 =	vperm.xlane v5, v22  }
0x83: {  	[tilespmem:v27+s13+$0x0] =	vst.idx.msk $0xffff, v8;
	v8 =	vperm.xlane v5, v25  }
0x84: {  	[tilespmem:v28+s13+$0x0] =	vst.idx.msk $0xffff, v7  }
0x85: {  	[tilespmem:v29+s13+$0x0] =	vst.idx.msk $0xffff, v8  }
0x86: {  	v7 =	vld [tilespmem:s17+$0x0];
	_ =	sdelay $0x2  }
0x87: {  	v8 =	vld [tilespmem:s18+$0x0];
	_ =	sdelay $0x1  }
0x88: {  	v30 =	vcvt.s32.f32 v7;
	_ =	sdelay $0x1  }
0x89: {  	v9 =	vmul.f32 $5.882352960e-02, v30  }
0x8a: {  	v31 =	vcvt.s32.f32 v8  }
0x8b: {  	v9 =	vtrunc.f32 v9  }
0x8c: {  	v10 =	vmul.f32 $5.882352960e-02, v31;
	v9 =	vcvt.f32.s32 v9;
	_ =	sdelay $0x1  }
0x8d: {  	v10 =	vtrunc.f32 v10;
	v32 =	vmul.u32 $0xFFFFFFEF, v9  }
0x8e: {  	v34 =	vor.u32 $0x8, v6;
	v35 =	vor.u32 $0x9, v6;
	v10 =	vcvt.f32.s32 v10  }
0x8f: {  	v37 =	vor.u32 $0xA, v6;
	vm4 =	vgt.s32 v7, $0xFFFFFFFF;
	v7 =	vadd.s32 v7, v32  }
0x90: {  	vm8 =	vgt.s32 v8, $0xFFFFFFFF;
	v33 =	vmul.u32 $0xFFFFFFEF, v10;
	vm7 =	vgt.s32 v7, $0x0  }
0x91: {  	v36 =	vsel vm4, $0x3F800000, v3;
	vm5 =	vgt.s32 v9, $0x0;
	v7 =	vnsel vm7, $0x0, v7  }
0x92: {  	v9 =	vnsel vm5, $0x0, v9;
	v8 =	vadd.s32 v8, v33;
	v7 =	vmin.u32 v7, $0xE  }
0x93: {  	v9 =	vmin.u32 v9, $0xA;
	vm9 =	vgt.s32 v8, $0x0;
	v7 =	vcvt.s32.f32 v7  }
0x94: {  	vm6 =	vgt.s32 v10, $0x0;
	v9 =	vcvt.s32.f32 v9;
	v8 =	vnsel vm9, $0x0, v8  }
0x95: {  	v10 =	vnsel vm6, $0x0, v10;
	v8 =	vmin.u32 v8, $0xE;
	v7 =	vmul.f32 $7.142857460e-02, v7  }
0x96: {  	v10 =	vmin.u32 v10, $0xA;
	v9 =	vmul.f32 $1.000000010e-01, v9;
	v8 =	vcvt.s32.f32 v8  }
0x97: {  	v38 =	vor.u32 $0xB, v6;
	v10 =	vcvt.s32.f32 v10;
	v7 =	vmul.f32 v7, v36  }
0x98: {  	v39 =	vor.u32 $0xC, v6;
	v9 =	vmul.f32 v9, v36;
	v8 =	vmul.f32 $7.142857460e-02, v8  }
0x99: {  	v6 =	vor.u32 $0xD, v6;
	v10 =	vmul.f32 $1.000000010e-01, v10;
	[tilespmem:v34+s13+$0x0] =	vst.idx.msk $0xffff, v7;
	v7 =	vsel vm8, $0x3F800000, v3  }
0x9a: {  	[tilespmem:v35+s13+$0x0] =	vst.idx.msk $0xffff, v9;
	v8 =	vmul.f32 v8, v7  }
0x9b: {  	v40 =	vmul.f32 v10, v7;
	[tilespmem:v37+s13+$0x0] =	vst.idx.msk $0xffff, v36  }
0x9c: {  	[tilespmem:v38+s13+$0x0] =	vst.idx.msk $0xffff, v8  }
0x9d: {  	[tilespmem:v39+s13+$0x0] =	vst.idx.msk $0xffff, v40  }
0x9e: {  	s31 =	simm.s32 $0x30;
	[tilespmem:v6+s13+$0x0] =	vst.idx.msk $0xffff, v7  }
0x9f: {  	v6 =	vmov s31;
	v7 =	vld [tilespmem:s16+$0x10]  }
0xa0: {  	v6 =	vshll.u32 v6, $0x7  }
0xa1: {  	v8 =	vor.u32 v2, v6  }
0xa2: {  	v6 =	vor.u32 $0x1, v8  }
0xa3: {  	v41 =	vor.u32 $0x2, v8  }
0xa4: {  	v42 =	vor.u32 $0x3, v8;
	v43 =	vperm.xlane v4, v7;
	v44 =	vadd.s32 $0x4, v7  }
0xa5: {  	v47 =	vor.u32 $0x4, v8;
	v45 =	vadd.s32 $0x8, v7;
	v46 =	vperm.xlane v4, v44  }
0xa6: {  	v50 =	vor.u32 $0x5, v8;
	v48 =	vadd.s32 $0xC, v7;
	v49 =	vperm.xlane v4, v45;
	[tilespmem:v8+s13+$0x0] =	vst.idx.msk $0xffff, v43  }
0xa7: {  	v51 =	vor.u32 $0x6, v8;
	[tilespmem:v6+s13+$0x0] =	vst.idx.msk $0xffff, v46;
	v6 =	vperm.xlane v4, v48  }
0xa8: {  	v52 =	vor.u32 $0x7, v8;
	v7 =	vperm.xlane v5, v7;
	[tilespmem:v41+s13+$0x0] =	vst.idx.msk $0xffff, v49  }
0xa9: {  	[tilespmem:v42+s13+$0x0] =	vst.idx.msk $0xffff, v6;
	v6 =	vperm.xlane v5, v44  }
0xaa: {  	[tilespmem:v47+s13+$0x0] =	vst.idx.msk $0xffff, v7;
	v7 =	vperm.xlane v5, v45  }
0xab: {  	[tilespmem:v50+s13+$0x0] =	vst.idx.msk $0xffff, v6;
	v6 =	vperm.xlane v5, v48  }
0xac: {  	[tilespmem:v51+s13+$0x0] =	vst.idx.msk $0xffff, v7  }
0xad: {  	[tilespmem:v52+s13+$0x0] =	vst.idx.msk $0xffff, v6  }
0xae: {  	v6 =	vld [tilespmem:s17+$0x10];
	_ =	sdelay $0x2  }
0xaf: {  	v7 =	vld [tilespmem:s18+$0x10];
	_ =	sdelay $0x1  }
0xb0: {  	v53 =	vcvt.s32.f32 v6;
	_ =	sdelay $0x1  }
0xb1: {  	v9 =	vmul.f32 $5.882352960e-02, v53  }
0xb2: {  	v54 =	vcvt.s32.f32 v7  }
0xb3: {  	v9 =	vtrunc.f32 v9  }
0xb4: {  	v10 =	vmul.f32 $5.882352960e-02, v54;
	v9 =	vcvt.f32.s32 v9;
	_ =	sdelay $0x1  }
0xb5: {  	v10 =	vtrunc.f32 v10;
	v55 =	vmul.u32 $0xFFFFFFEF, v9  }
0xb6: {  	v10 =	vcvt.f32.s32 v10  }
0xb7: {  	vm10 =	vgt.s32 v6, $0xFFFFFFFF;
	v6 =	vadd.s32 v6, v55  }
0xb8: {  	v57 =	vor.u32 $0x8, v8;
	v56 =	vmul.u32 $0xFFFFFFEF, v10;
	vm13 =	vgt.s32 v6, $0x0  }
0xb9: {  	vm14 =	vgt.s32 v7, $0xFFFFFFFF;
	vm11 =	vgt.s32 v9, $0x0;
	v6 =	vnsel vm13, $0x0, v6  }
0xba: {  	v9 =	vnsel vm11, $0x0, v9;
	v7 =	vadd.s32 v7, v56;
	v6 =	vmin.u32 v6, $0xE  }
0xbb: {  	v9 =	vmin.u32 v9, $0xA;
	vm15 =	vgt.s32 v7, $0x0;
	v6 =	vcvt.s32.f32 v6  }
0xbc: {  	v58 =	vor.u32 $0x9, v8;
	v9 =	vcvt.s32.f32 v9;
	v7 =	vnsel vm15, $0x0, v7  }
0xbd: {  	v60 =	vor.u32 $0xA, v8;
	v7 =	vmin.u32 v7, $0xE;
	v6 =	vmul.f32 $7.142857460e-02, v6  }
0xbe: {  	v59 =	vsel vm10, $0x3F800000, v3;
	v9 =	vmul.f32 $1.000000010e-01, v9;
	v7 =	vcvt.s32.f32 v7  }
0xbf: {  	v61 =	vor.u32 $0xB, v8;
	vm12 =	vgt.s32 v10, $0x0;
	v6 =	vmul.f32 v6, v59  }
0xc0: {  	v10 =	vnsel vm12, $0x0, v10;
	v9 =	vmul.f32 v9, v59;
	v7 =	vmul.f32 $7.142857460e-02, v7  }
0xc1: {  	v10 =	vmin.u32 v10, $0xA;
	[tilespmem:v57+s13+$0x0] =	vst.idx.msk $0xffff, v6;
	v6 =	vsel vm14, $0x3F800000, v3  }
0xc2: {  	v10 =	vcvt.s32.f32 v10;
	[tilespmem:v58+s13+$0x0] =	vst.idx.msk $0xffff, v9;
	v7 =	vmul.f32 v7, v6  }
0xc3: {  	v62 =	vor.u32 $0xC, v8;
	[tilespmem:v60+s13+$0x0] =	vst.idx.msk $0xffff, v59  }
0xc4: {  	v10 =	vmul.f32 $1.000000010e-01, v10;
	[tilespmem:v61+s13+$0x0] =	vst.idx.msk $0xffff, v7;
	v7 =	vor.u32 $0xD, v8;
	_ =	sdelay $0x1  }
0xc5: {  	v63 =	vmul.f32 v10, v6;
	_ =	sdelay $0x1  }
0xc6: {  	s19 =	simm.s32 $0x40;
	[tilespmem:v62+s13+$0x0] =	vst.idx.msk $0xffff, v63  }
.LBB2_2:
0xc7: {  	[tilespmem:v7+s13+$0x0] =	vst.idx.msk $0xffff, v6;
	s18 =	sadd.s32 $0x40, s18;
	s17 =	sadd.s32 $0x40, s17;
	s16 =	sadd.s32 $0x40, s16  }
0xc8: {  	v6 =	vmov s19;
	p0 =	sne.s32 s19, $0x1C0;
	s20 =	smov.u32 s19;
	s19 =	sadd.s32 $0x40, s19;
	v7 =	vld [tilespmem:s16+$0xFFFFFFE0]  }
0xc9: {  	v6 =	vshll.u32 v6, $0x7  }
0xca: {  	v6 =	vor.u32 v2, v6  }
0xcb: {  	v8 =	vor.u32 $0x1, v6  }
0xcc: {  	v9 =	vor.u32 $0x2, v6;
	v10 =	vor.u32 $0x3, v6  }
0xcd: {  	v11 =	vperm.xlane v4, v7;
	v12 =	vadd.s32 $0x4, v7;
	v13 =	vadd.s32 $0x8, v7  }
0xce: {  	v16 =	vor.u32 $0x4, v6;
	v15 =	vadd.s32 $0xC, v7;
	v14 =	vperm.xlane v4, v12  }
0xcf: {  	v17 =	vor.u32 $0x5, v6;
	[tilespmem:v6+s13+$0x0] =	vst.idx.msk $0xffff, v11;
	v11 =	vperm.xlane v4, v13  }
0xd0: {  	[tilespmem:v8+s13+$0x0] =	vst.idx.msk $0xffff, v14;
	v8 =	vperm.xlane v4, v15;
	v14 =	vor.u32 $0x6, v6  }
0xd1: {  	v7 =	vperm.xlane v5, v7;
	[tilespmem:v9+s13+$0x0] =	vst.idx.msk $0xffff, v11;
	v9 =	vor.u32 $0x7, v6  }
0xd2: {  	[tilespmem:v10+s13+$0x0] =	vst.idx.msk $0xffff, v8;
	v8 =	vperm.xlane v5, v12  }
0xd3: {  	[tilespmem:v16+s13+$0x0] =	vst.idx.msk $0xffff, v7;
	v7 =	vperm.xlane v5, v13  }
0xd4: {  	[tilespmem:v17+s13+$0x0] =	vst.idx.msk $0xffff, v8;
	v8 =	vperm.xlane v5, v15  }
0xd5: {  	[tilespmem:v14+s13+$0x0] =	vst.idx.msk $0xffff, v7  }
0xd6: {  	[tilespmem:v9+s13+$0x0] =	vst.idx.msk $0xffff, v8  }
0xd7: {  	v7 =	vld [tilespmem:s17+$0xFFFFFFE0];
	_ =	sdelay $0x2  }
0xd8: {  	v8 =	vld [tilespmem:s18+$0xFFFFFFE0];
	_ =	sdelay $0x1  }
0xd9: {  	vm1 =	vgt.s32 v7, $0xFFFFFFFF;
	v9 =	vcvt.s32.f32 v7;
	_ =	sdelay $0x1  }
0xda: {  	v9 =	vmul.f32 $5.882352960e-02, v9  }
0xdb: {  	vm0 =	vgt.s32 v8, $0xFFFFFFFF;
	v10 =	vcvt.s32.f32 v8  }
0xdc: {  	v9 =	vtrunc.f32 v9  }
0xdd: {  	v9 =	vcvt.f32.s32 v9;
	v10 =	vmul.f32 $5.882352960e-02, v10;
	_ =	sdelay $0x1  }
0xde: {  	v11 =	vmul.u32 $0xFFFFFFEF, v9;
	vm2 =	vgt.s32 v9, $0x0;
	v10 =	vtrunc.f32 v10  }
0xdf: {  	v9 =	vnsel vm2, $0x0, v9;
	v10 =	vcvt.f32.s32 v10  }
0xe0: {  	v7 =	vadd.s32 v7, v11;
	v9 =	vmin.u32 v9, $0xA  }
0xe1: {  	vm2 =	vgt.s32 v7, $0x0;
	v9 =	vcvt.s32.f32 v9;
	v11 =	vmul.u32 $0xFFFFFFEF, v10  }
0xe2: {  	v12 =	vor.u32 $0x9, v6;
	v7 =	vnsel vm2, $0x0, v7;
	vm2 =	vgt.s32 v10, $0x0  }
0xe3: {  	v7 =	vmin.u32 v7, $0xE;
	v8 =	vadd.s32 v8, v11;
	v10 =	vnsel vm2, $0x0, v10  }
0xe4: {  	v9 =	vmul.f32 $1.000000010e-01, v9;
	v7 =	vcvt.s32.f32 v7;
	vm2 =	vgt.s32 v8, $0x0  }
0xe5: {  	v11 =	vor.u32 $0x8, v6;
	v10 =	vmin.u32 v10, $0xA;
	v8 =	vnsel vm2, $0x0, v8  }
0xe6: {  	v10 =	vcvt.s32.f32 v10;
	v7 =	vmul.f32 $7.142857460e-02, v7;
	v8 =	vmin.u32 v8, $0xE  }
0xe7: {  	v14 =	vor.u32 $0xA, v6;
	v13 =	vsel vm1, $0x3F800000, v3;
	v8 =	vcvt.s32.f32 v8  }
0xe8: {  	v15 =	vor.u32 $0xB, v6;
	v7 =	vmul.f32 v7, v13  }
0xe9: {  	v16 =	vor.u32 $0xC, v6;
	v9 =	vmul.f32 v9, v13;
	v8 =	vmul.f32 $7.142857460e-02, v8  }
0xea: {  	v6 =	vor.u32 $0xD, v6;
	v10 =	vmul.f32 $1.000000010e-01, v10;
	[tilespmem:v11+s13+$0x0] =	vst.idx.msk $0xffff, v7;
	v7 =	vsel vm0, $0x3F800000, v3  }
0xeb: {  	[tilespmem:v12+s13+$0x0] =	vst.idx.msk $0xffff, v9;
	v8 =	vmul.f32 v8, v7  }
0xec: {  	v9 =	vmul.f32 v10, v7;
	[tilespmem:v14+s13+$0x0] =	vst.idx.msk $0xffff, v13  }
0xed: {  	[tilespmem:v15+s13+$0x0] =	vst.idx.msk $0xffff, v8  }
0xee: {  	[tilespmem:v16+s13+$0x0] =	vst.idx.msk $0xffff, v9  }
0xef: {  	s21 =	sadd.s32 $0x10, s20;
	[tilespmem:v6+s13+$0x0] =	vst.idx.msk $0xffff, v7  }
0xf0: {  	v6 =	vmov s21;
	v7 =	vld [tilespmem:s16+$0xFFFFFFF0]  }
0xf1: {  	v6 =	vshll.u32 v6, $0x7  }
0xf2: {  	v6 =	vor.u32 v2, v6  }
0xf3: {  	v8 =	vor.u32 $0x1, v6  }
0xf4: {  	v9 =	vor.u32 $0x2, v6;
	v10 =	vor.u32 $0x3, v6  }
0xf5: {  	v11 =	vperm.xlane v4, v7;
	v12 =	vadd.s32 $0x4, v7;
	v13 =	vadd.s32 $0x8, v7  }
0xf6: {  	v16 =	vor.u32 $0x4, v6;
	v15 =	vadd.s32 $0xC, v7;
	v14 =	vperm.xlane v4, v12  }
0xf7: {  	v17 =	vor.u32 $0x5, v6;
	[tilespmem:v6+s13+$0x0] =	vst.idx.msk $0xffff, v11;
	v11 =	vperm.xlane v4, v13  }
0xf8: {  	[tilespmem:v8+s13+$0x0] =	vst.idx.msk $0xffff, v14;
	v8 =	vperm.xlane v4, v15;
	v14 =	vor.u32 $0x6, v6  }
0xf9: {  	v7 =	vperm.xlane v5, v7;
	[tilespmem:v9+s13+$0x0] =	vst.idx.msk $0xffff, v11;
	v9 =	vor.u32 $0x7, v6  }
0xfa: {  	[tilespmem:v10+s13+$0x0] =	vst.idx.msk $0xffff, v8;
	v8 =	vperm.xlane v5, v12  }
0xfb: {  	[tilespmem:v16+s13+$0x0] =	vst.idx.msk $0xffff, v7;
	v7 =	vperm.xlane v5, v13  }
0xfc: {  	[tilespmem:v17+s13+$0x0] =	vst.idx.msk $0xffff, v8;
	v8 =	vperm.xlane v5, v15  }
0xfd: {  	[tilespmem:v14+s13+$0x0] =	vst.idx.msk $0xffff, v7  }
0xfe: {  	[tilespmem:v9+s13+$0x0] =	vst.idx.msk $0xffff, v8  }
0xff: {  	v7 =	vld [tilespmem:s17+$0xFFFFFFF0];
	_ =	sdelay $0x2  }
0x100: {  	v8 =	vld [tilespmem:s18+$0xFFFFFFF0];
	_ =	sdelay $0x1  }
0x101: {  	vm1 =	vgt.s32 v7, $0xFFFFFFFF;
	v9 =	vcvt.s32.f32 v7;
	_ =	sdelay $0x1  }
0x102: {  	v9 =	vmul.f32 $5.882352960e-02, v9  }
0x103: {  	vm0 =	vgt.s32 v8, $0xFFFFFFFF;
	v10 =	vcvt.s32.f32 v8  }
0x104: {  	v9 =	vtrunc.f32 v9  }
0x105: {  	v9 =	vcvt.f32.s32 v9;
	v10 =	vmul.f32 $5.882352960e-02, v10;
	_ =	sdelay $0x1  }
0x106: {  	v11 =	vmul.u32 $0xFFFFFFEF, v9;
	vm2 =	vgt.s32 v9, $0x0;
	v10 =	vtrunc.f32 v10  }
0x107: {  	v9 =	vnsel vm2, $0x0, v9;
	v10 =	vcvt.f32.s32 v10  }
0x108: {  	v7 =	vadd.s32 v7, v11;
	v9 =	vmin.u32 v9, $0xA;
	v11 =	vor.u32 $0xA, v6  }
0x109: {  	vm2 =	vgt.s32 v7, $0x0;
	v9 =	vcvt.s32.f32 v9;
	v12 =	vmul.u32 $0xFFFFFFEF, v10  }
0x10a: {  	v13 =	vor.u32 $0x9, v6;
	v7 =	vnsel vm2, $0x0, v7;
	vm2 =	vgt.s32 v10, $0x0  }
0x10b: {  	v7 =	vmin.u32 v7, $0xE;
	v8 =	vadd.s32 v8, v12;
	v10 =	vnsel vm2, $0x0, v10  }
0x10c: {  	v7 =	vcvt.s32.f32 v7;
	vm2 =	vgt.s32 v8, $0x0;
	v10 =	vmin.u32 v10, $0xA  }
0x10d: {  	v12 =	vor.u32 $0x8, v6;
	v8 =	vnsel vm2, $0x0, v8;
	v10 =	vcvt.s32.f32 v10  }
0x10e: {  	v9 =	vmul.f32 $1.000000010e-01, v9;
	v7 =	vmul.f32 $7.142857460e-02, v7;
	v8 =	vmin.u32 v8, $0xE  }
0x10f: {  	v14 =	vsel vm1, $0x3F800000, v3;
	v8 =	vcvt.s32.f32 v8;
	v10 =	vmul.f32 $1.000000010e-01, v10  }
0x110: {  	v15 =	vor.u32 $0xB, v6;
	v7 =	vmul.f32 v7, v14  }
0x111: {  	v16 =	vor.u32 $0xC, v6;
	v9 =	vmul.f32 v9, v14;
	v8 =	vmul.f32 $7.142857460e-02, v8  }
0x112: {  	v6 =	vor.u32 $0xD, v6;
	[tilespmem:v12+s13+$0x0] =	vst.idx.msk $0xffff, v7;
	v7 =	vsel vm0, $0x3F800000, v3  }
0x113: {  	[tilespmem:v13+s13+$0x0] =	vst.idx.msk $0xffff, v9;
	v8 =	vmul.f32 v8, v7  }
0x114: {  	v9 =	vmul.f32 v10, v7;
	[tilespmem:v11+s13+$0x0] =	vst.idx.msk $0xffff, v14  }
0x115: {  	[tilespmem:v15+s13+$0x0] =	vst.idx.msk $0xffff, v8  }
0x116: {  	[tilespmem:v16+s13+$0x0] =	vst.idx.msk $0xffff, v9  }
0x117: {  	s21 =	sadd.s32 $0x20, s20;
	[tilespmem:v6+s13+$0x0] =	vst.idx.msk $0xffff, v7  }
0x118: {  	v6 =	vmov s21;
	v7 =	vld [tilespmem:s16+$0x0]  }
0x119: {  	v6 =	vshll.u32 v6, $0x7  }
0x11a: {  	v6 =	vor.u32 v2, v6  }
0x11b: {  	v8 =	vor.u32 $0x1, v6  }
0x11c: {  	v9 =	vor.u32 $0x2, v6;
	v10 =	vor.u32 $0x3, v6  }
0x11d: {  	v11 =	vperm.xlane v4, v7;
	v12 =	vadd.s32 $0x4, v7;
	v13 =	vadd.s32 $0x8, v7  }
0x11e: {  	v16 =	vor.u32 $0x4, v6;
	v15 =	vadd.s32 $0xC, v7;
	v14 =	vperm.xlane v4, v12  }
0x11f: {  	v17 =	vor.u32 $0x5, v6;
	[tilespmem:v6+s13+$0x0] =	vst.idx.msk $0xffff, v11;
	v11 =	vperm.xlane v4, v13  }
0x120: {  	[tilespmem:v8+s13+$0x0] =	vst.idx.msk $0xffff, v14;
	v8 =	vperm.xlane v4, v15;
	v14 =	vor.u32 $0x6, v6  }
0x121: {  	v7 =	vperm.xlane v5, v7;
	[tilespmem:v9+s13+$0x0] =	vst.idx.msk $0xffff, v11;
	v9 =	vor.u32 $0x7, v6  }
0x122: {  	[tilespmem:v10+s13+$0x0] =	vst.idx.msk $0xffff, v8;
	v8 =	vperm.xlane v5, v12  }
0x123: {  	[tilespmem:v16+s13+$0x0] =	vst.idx.msk $0xffff, v7;
	v7 =	vperm.xlane v5, v13  }
0x124: {  	[tilespmem:v17+s13+$0x0] =	vst.idx.msk $0xffff, v8;
	v8 =	vperm.xlane v5, v15  }
0x125: {  	[tilespmem:v14+s13+$0x0] =	vst.idx.msk $0xffff, v7  }
0x126: {  	[tilespmem:v9+s13+$0x0] =	vst.idx.msk $0xffff, v8  }
0x127: {  	v7 =	vld [tilespmem:s17+$0x0]  }
0x128: {  	v8 =	vld [tilespmem:s18+$0x0];
	_ =	sdelay $0x3  }
0x129: {  	vm1 =	vgt.s32 v7, $0xFFFFFFFF;
	v9 =	vcvt.s32.f32 v7  }
0x12a: {  	vm0 =	vgt.s32 v8, $0xFFFFFFFF;
	v10 =	vcvt.s32.f32 v8  }
0x12b: {  	v9 =	vmul.f32 $5.882352960e-02, v9  }
0x12c: {  	v10 =	vmul.f32 $5.882352960e-02, v10  }
0x12d: {  	v9 =	vtrunc.f32 v9  }
0x12e: {  	v9 =	vcvt.f32.s32 v9;
	v10 =	vtrunc.f32 v10  }
0x12f: {  	v10 =	vcvt.f32.s32 v10  }
0x130: {  	v11 =	vmul.u32 $0xFFFFFFEF, v9;
	vm2 =	vgt.s32 v9, $0x0  }
0x131: {  	v9 =	vnsel vm2, $0x0, v9;
	v12 =	vmul.u32 $0xFFFFFFEF, v10;
	vm2 =	vgt.s32 v10, $0x0  }
0x132: {  	v7 =	vadd.s32 v7, v11;
	v9 =	vmin.u32 v9, $0xA;
	v10 =	vnsel vm2, $0x0, v10  }
0x133: {  	vm2 =	vgt.s32 v7, $0x0;
	v9 =	vcvt.s32.f32 v9;
	v8 =	vadd.s32 v8, v12  }
0x134: {  	v10 =	vmin.u32 v10, $0xA;
	v7 =	vnsel vm2, $0x0, v7;
	vm2 =	vgt.s32 v8, $0x0  }
0x135: {  	v7 =	vmin.u32 v7, $0xE;
	v9 =	vmul.f32 $1.000000010e-01, v9;
	v8 =	vnsel vm2, $0x0, v8  }
0x136: {  	v10 =	vcvt.s32.f32 v10;
	v7 =	vcvt.s32.f32 v7;
	v8 =	vmin.u32 v8, $0xE  }
0x137: {  	v11 =	vor.u32 $0x8, v6;
	v8 =	vcvt.s32.f32 v8  }
0x138: {  	v12 =	vor.u32 $0x9, v6;
	v10 =	vmul.f32 $1.000000010e-01, v10;
	v7 =	vmul.f32 $7.142857460e-02, v7  }
0x139: {  	v14 =	vor.u32 $0xA, v6;
	v13 =	vsel vm1, $0x3F800000, v3;
	v8 =	vmul.f32 $7.142857460e-02, v8  }
0x13a: {  	v15 =	vor.u32 $0xB, v6;
	v7 =	vmul.f32 v7, v13  }
0x13b: {  	v16 =	vor.u32 $0xC, v6;
	v9 =	vmul.f32 v9, v13  }
0x13c: {  	v6 =	vor.u32 $0xD, v6;
	[tilespmem:v11+s13+$0x0] =	vst.idx.msk $0xffff, v7;
	v7 =	vsel vm0, $0x3F800000, v3  }
0x13d: {  	[tilespmem:v12+s13+$0x0] =	vst.idx.msk $0xffff, v9;
	v8 =	vmul.f32 v8, v7  }
0x13e: {  	v9 =	vmul.f32 v10, v7;
	[tilespmem:v14+s13+$0x0] =	vst.idx.msk $0xffff, v13  }
0x13f: {  	[tilespmem:v15+s13+$0x0] =	vst.idx.msk $0xffff, v8  }
0x140: {  	[tilespmem:v16+s13+$0x0] =	vst.idx.msk $0xffff, v9  }
0x141: {  	s20 =	sadd.s32 $0x30, s20;
	[tilespmem:v6+s13+$0x0] =	vst.idx.msk $0xffff, v7  }
0x142: {  	v6 =	vmov s20;
	v7 =	vld [tilespmem:s16+$0x10]  }
0x143: {  	v6 =	vshll.u32 v6, $0x7  }
0x144: {  	v8 =	vor.u32 v2, v6  }
0x145: {  	v6 =	vor.u32 $0x1, v8  }
0x146: {  	v9 =	vor.u32 $0x2, v8;
	v10 =	vor.u32 $0x3, v8  }
0x147: {  	v11 =	vperm.xlane v4, v7;
	v12 =	vadd.s32 $0x4, v7;
	v13 =	vadd.s32 $0x8, v7  }
0x148: {  	v16 =	vor.u32 $0x4, v8;
	v15 =	vadd.s32 $0xC, v7;
	v14 =	vperm.xlane v4, v12  }
0x149: {  	v17 =	vor.u32 $0x5, v8;
	[tilespmem:v8+s13+$0x0] =	vst.idx.msk $0xffff, v11;
	v11 =	vperm.xlane v4, v13  }
0x14a: {  	[tilespmem:v6+s13+$0x0] =	vst.idx.msk $0xffff, v14;
	v6 =	vperm.xlane v4, v15;
	v14 =	vor.u32 $0x6, v8  }
0x14b: {  	v7 =	vperm.xlane v5, v7;
	[tilespmem:v9+s13+$0x0] =	vst.idx.msk $0xffff, v11;
	v9 =	vor.u32 $0x7, v8  }
0x14c: {  	[tilespmem:v10+s13+$0x0] =	vst.idx.msk $0xffff, v6;
	v6 =	vperm.xlane v5, v12  }
0x14d: {  	[tilespmem:v16+s13+$0x0] =	vst.idx.msk $0xffff, v7;
	v7 =	vperm.xlane v5, v13  }
0x14e: {  	[tilespmem:v17+s13+$0x0] =	vst.idx.msk $0xffff, v6;
	v6 =	vperm.xlane v5, v15  }
0x14f: {  	[tilespmem:v14+s13+$0x0] =	vst.idx.msk $0xffff, v7  }
0x150: {  	[tilespmem:v9+s13+$0x0] =	vst.idx.msk $0xffff, v6  }
0x151: {  	v6 =	vld [tilespmem:s17+$0x10]  }
0x152: {  	v7 =	vld [tilespmem:s18+$0x10];
	_ =	sdelay $0x3  }
0x153: {  	vm1 =	vgt.s32 v6, $0xFFFFFFFF;
	v9 =	vcvt.s32.f32 v6  }
0x154: {  	vm0 =	vgt.s32 v7, $0xFFFFFFFF;
	v10 =	vcvt.s32.f32 v7  }
0x155: {  	v9 =	vmul.f32 $5.882352960e-02, v9  }
0x156: {  	v10 =	vmul.f32 $5.882352960e-02, v10  }
0x157: {  	v9 =	vtrunc.f32 v9  }
0x158: {  	v9 =	vcvt.f32.s32 v9;
	v10 =	vtrunc.f32 v10  }
0x159: {  	v10 =	vcvt.f32.s32 v10  }
0x15a: {  	v11 =	vmul.u32 $0xFFFFFFEF, v9;
	vm2 =	vgt.s32 v9, $0x0  }
0x15b: {  	v9 =	vnsel vm2, $0x0, v9;
	v12 =	vmul.u32 $0xFFFFFFEF, v10;
	vm2 =	vgt.s32 v10, $0x0  }
0x15c: {  	v6 =	vadd.s32 v6, v11;
	v9 =	vmin.u32 v9, $0xA;
	v10 =	vnsel vm2, $0x0, v10  }
0x15d: {  	vm2 =	vgt.s32 v6, $0x0;
	v9 =	vcvt.s32.f32 v9;
	v7 =	vadd.s32 v7, v12  }
0x15e: {  	v10 =	vmin.u32 v10, $0xA;
	v6 =	vnsel vm2, $0x0, v6;
	vm2 =	vgt.s32 v7, $0x0  }
0x15f: {  	v6 =	vmin.u32 v6, $0xE;
	v9 =	vmul.f32 $1.000000010e-01, v9;
	v7 =	vnsel vm2, $0x0, v7  }
0x160: {  	v10 =	vcvt.s32.f32 v10;
	v6 =	vcvt.s32.f32 v6;
	v7 =	vmin.u32 v7, $0xE  }
0x161: {  	v11 =	vor.u32 $0x8, v8;
	v7 =	vcvt.s32.f32 v7  }
0x162: {  	v12 =	vor.u32 $0x9, v8;
	v10 =	vmul.f32 $1.000000010e-01, v10;
	v6 =	vmul.f32 $7.142857460e-02, v6  }
0x163: {  	v14 =	vor.u32 $0xA, v8;
	v13 =	vsel vm1, $0x3F800000, v3;
	v15 =	vmul.f32 $7.142857460e-02, v7  }
0x164: {  	v16 =	vor.u32 $0xB, v8;
	v6 =	vmul.f32 v6, v13  }
0x165: {  	v17 =	vor.u32 $0xC, v8;
	v9 =	vmul.f32 v9, v13  }
.Ltmp0:
0x166: {  	v7 =	vor.u32 $0xD, v8;
	[tilespmem:v11+s13+$0x0] =	vst.idx.msk $0xffff, v6;
	v6 =	vsel vm0, $0x3F800000, v3;
	(pc) =	sbr.rel @p0 .LBB2_2-.Ltmp0, $4  }
0x167: {  	[tilespmem:v12+s13+$0x0] =	vst.idx.msk $0xffff, v9;
	v8 =	vmul.f32 v15, v6  }
0x168: {  	v9 =	vmul.f32 v10, v6;
	[tilespmem:v14+s13+$0x0] =	vst.idx.msk $0xffff, v13  }
0x169: {  	[tilespmem:v16+s13+$0x0] =	vst.idx.msk $0xffff, v8  }
0x16a: {  	[tilespmem:v17+s13+$0x0] =	vst.idx.msk $0xffff, v9  }
0x16b: {  	_ =	sdelay $0x1  }
0x16c: {  	s15 =	sadd.s32 $0x1, s15  }
0x16d: {  	p0 =	sne.s32 s15, s8  }
.Ltmp1:
0x16e: {  	[tilespmem:v7+s13+$0x0] =	vst.idx.msk $0xffff, v6;
	(pc) =	sbr.rel @p0 .LBB2_1-.Ltmp1, $4  }
0x16f: {  	[hbm4b:s7+s3] =	stream.linear.scatter [tilespmem:s13], [sflag:$0x2], $0x10000, $0x38;
	[tilespmem:$0x10800] =	vst v63  }
0x170: {  	_ =	swait.ge [sflag:s14], $0x10000  }
0x171: {  	[sflag:s14] =	ssyncset.done $0x0  }
0x172: {  	[sflag:s14] =	ssyncadd.s32 $0xFFFF0000  }
0x173: {  	_ =	sfence.sel $0x180000  }
0x174: {  	[bflag:$0x0] =	sbarrier.arrive $0xFFFF  }
0x175: {  	p0 =	sne.s32 s2, $0x0;
	_ =	strace $0x90000047  }
0x176: {  	s0 =	sadd.s32 @!p0 $0x100000, s1;
	[bflag:$0x2] =	sbarrier.arrive $0xFFFF  }
0x177: {  	[sflag:s0] =	ssyncadd.tile.s32 @!p0 $0x1;
	_ =	shalt  }
.Lfunc_end2:
_tile_overlayer_lowered:
.L_overlay_start_2:
0x178: {  	(tag) =	ssettag $0x2  }
0x179: {  	s0 =	rddreg [dreg:$0x0];
	s2 =	stileid.u32  }
0x17a: {  	s1 =	rddreg [dreg:$0x1];
	p0 =	sne.s32 s2, $0x0  }
0x17b: {  	s3 =	rddreg [dreg:$0x2];
	[bflag:$0x3] =	sbarrier.arrive $0xFFFF;
	s2 =	simm.s32 @!p0 $0x1C02  }
0x17c: {  	[timem:s3], [sflag:s2] =	dma.local @!p0 [hbm:s0], s1  }
0x17d: {  	s0 =	simm.s32 @!p0 $0x2  }
0x17e: {  	_ =	swait.ge @!p0 [sflag:s0], s1  }
0x17f: {  	s1 =	ssub.s32 @!p0 $0x0, s1;
	[sflag:s0] =	ssyncset.done @!p0 $0x0  }
0x180: {  	[sflag:s0] =	ssyncadd.s32 @!p0 s1  }
0x181: {  	[bflag:$0x3] =	sbarrier.arrive $0xFFFF  }
0x182: {  	_ =	shalt  }

</sc_bundles>
